<compile_context>
chip_gen: v7x
topology: tpu7x:2x2x1
jax: 0.10.2.dev20260603
libtpu: 0.0.44.dev20260713+nightly
codegen_flags: <defaults>
</compile_context>

<pallas_src>
import functools

import jax
import jax.numpy as jnp
from jax import lax
from jax.experimental import pallas as pl
from jax.experimental.pallas import tpu as pltpu
from jax.experimental.pallas import tpu_sc as plsc

WORD_VOCAB = 100000
TOPIC_VOCAB = 1000
ACT_VOCAB = 1000
WORD_D = 64
TOPIC_D = 32
ACT_D = 32
B = 4096
L = 200

_NC = 2
_NS = 16
_NW = _NC * _NS

_TOTAL_W = B * L
_W_PER = _TOTAL_W // _NW
_SUPER = 128
_NSUPER = _W_PER // _SUPER
_S_PER = B // _NW
_LANES = 16
_WPACK = 128 // WORD_D
_SPACK = 128 // TOPIC_D


def _body(word_ids, topic_ids, act_ids, over_w, over_t, over_a,
          word_out, topic_out, act_out,
          g_a, g_b, t_a, t_b, i_a, i_b, tidx_v, aidx_v, tt_v, at_v,
          gsem_a, gsem_b, osem_a, osem_b, isem_a, isem_b, tsem):
  c = lax.axis_index("c")
  s = lax.axis_index("s")
  wid = s * _NC + c

  idx_base = wid * _W_PER
  out_base = wid * _W_PER
  orows = _SUPER

  def iload(i, ib, isem):
    pltpu.async_copy(word_ids.at[pl.ds(idx_base + i * _SUPER, _SUPER)],
                     ib, isem)

  def iwait(ib, isem):
    pltpu.make_async_copy(word_ids.at[pl.ds(0, _SUPER)], ib, isem).wait()

  def fire(gb, ib, gs):
    pltpu.async_copy(over_w.at[ib], gb, gs)

  def gwait(gb, ib, gs):
    pltpu.make_async_copy(over_w.at[ib], gb, gs).wait()

  def compact(gb, tb, d, nrows, unroll):
    nv = d // _LANES
    @plsc.parallel_loop(0, nrows, unroll=unroll)
    def _cp(q):
      for cc in range(nv):
        tb[q, pl.ds(cc * _LANES, _LANES)] = gb[q, pl.ds(cc * _LANES, _LANES)]

  def out_start(i, tb, os):
    pltpu.async_copy(tb, word_out.at[pl.ds(out_base + i * orows, orows)], os)

  def out_wait(tb, os):
    pltpu.make_async_copy(tb, word_out.at[pl.ds(out_base, orows)], os).wait()

  slots = ((g_a, t_a, i_a, gsem_a, osem_a, isem_a),
           (g_b, t_b, i_b, gsem_b, osem_b, isem_b))

  for i, (gb, tb, ib, gs, os, isem) in ((0, slots[0]), (1, slots[1])):
    iload(i, ib, isem)
  for i, (gb, tb, ib, gs, os, isem) in ((0, slots[0]), (1, slots[1])):
    iwait(ib, isem)
    fire(gb, ib, gs)
  for i, (gb, tb, ib, gs, os, isem) in ((0, slots[0]), (1, slots[1])):
    gwait(gb, ib, gs)
    iload(i + 2, ib, isem)
    compact(gb, tb, WORD_D, orows, 16)
    iwait(ib, isem)
    fire(gb, ib, gs)
    out_start(i, tb, os)

  @pl.loop(1, _NSUPER // 2 - 1)
  def _w(ci):
    for slot, (gb, tb, ib, gs, os, isem) in enumerate(slots):
      i = ci * 2 + slot
      gwait(gb, ib, gs)
      iload(i + 2, ib, isem)
      out_wait(tb, os)
      compact(gb, tb, WORD_D, orows, 16)
      iwait(ib, isem)
      fire(gb, ib, gs)
      out_start(i, tb, os)

  for i, (gb, tb, ib, gs, os, isem) in ((_NSUPER - 2, slots[0]),
                                        (_NSUPER - 1, slots[1])):
    gwait(gb, ib, gs)
    out_wait(tb, os)
    compact(gb, tb, WORD_D, orows, 16)
    out_start(i, tb, os)
  for gb, tb, ib, gs, os, isem in slots:
    out_wait(tb, os)

  sb = wid * _S_PER
  pltpu.sync_copy(topic_ids.at[pl.ds(sb, _S_PER)], tidx_v)
  pltpu.sync_copy(act_ids.at[pl.ds(sb, _S_PER)], aidx_v)
  dt = pltpu.async_copy(over_t.at[tidx_v], g_a, tsem)
  da = pltpu.async_copy(over_a.at[aidx_v], g_b, tsem)
  dt.wait()
  da.wait()
  compact(g_a, tt_v, TOPIC_D, _S_PER, 16)
  compact(g_b, at_v, ACT_D, _S_PER, 16)
  pltpu.sync_copy(tt_v, topic_out.at[pl.ds(sb, _S_PER)])
  pltpu.sync_copy(at_v, act_out.at[pl.ds(sb, _S_PER)])


@jax.jit
def _run(word_ids1d, topic_ids, act_ids, over_w, over_t, over_a):
  mesh = plsc.VectorSubcoreMesh(core_axis_name="c", subcore_axis_name="s")
  k = pl.kernel(
      _body,
      out_type=(
          jax.ShapeDtypeStruct((_TOTAL_W, WORD_D), jnp.float32),
          jax.ShapeDtypeStruct((B, TOPIC_D), jnp.float32),
          jax.ShapeDtypeStruct((B, ACT_D), jnp.float32),
      ),
      mesh=mesh,
      scratch_types=(
          pltpu.VMEM((_SUPER, 128), jnp.float32),
          pltpu.VMEM((_SUPER, 128), jnp.float32),
          pltpu.VMEM((_SUPER, WORD_D), jnp.float32),
          pltpu.VMEM((_SUPER, WORD_D), jnp.float32),
          pltpu.VMEM((_SUPER,), jnp.int32),
          pltpu.VMEM((_SUPER,), jnp.int32),
          pltpu.VMEM((_S_PER,), jnp.int32),
          pltpu.VMEM((_S_PER,), jnp.int32),
          pltpu.VMEM((_S_PER, TOPIC_D), jnp.float32),
          pltpu.VMEM((_S_PER, ACT_D), jnp.float32),
          pltpu.SemaphoreType.DMA,
          pltpu.SemaphoreType.DMA,
          pltpu.SemaphoreType.DMA,
          pltpu.SemaphoreType.DMA,
          pltpu.SemaphoreType.DMA,
          pltpu.SemaphoreType.DMA,
          pltpu.SemaphoreType.DMA,
      ),
  )
  return k(word_ids1d, topic_ids, act_ids, over_w, over_t, over_a)


def _overlap(table, d):
  return jnp.concatenate([table] * (128 // d), axis=1)


def kernel(word_ids, topic_ids, act_ids, word_table, topic_table, act_table):
  word_ids1d = word_ids.reshape(_TOTAL_W).astype(jnp.int32)
  wout, tout, aout = _run(word_ids1d,
                          topic_ids.astype(jnp.int32),
                          act_ids.astype(jnp.int32),
                          _overlap(word_table, WORD_D),
                          _overlap(topic_table, TOPIC_D),
                          _overlap(act_table, ACT_D))
  return (wout.reshape(B, L, WORD_D), tout, aout)

# --- scband reference (transcript-rebuilt; emitter-appended) ---
"""Pipeline reference for scband-kg-rnn-cvae-7361573945720 (READ-ONLY COPY).

The authoritative reference and input builder live on the scoring server;
editing this copy changes nothing except your own understanding.
"""

import jax, jax.numpy as jnp
import numpy as np

WORD_VOCAB = 100000
TOPIC_VOCAB = 1000
ACT_VOCAB = 1000
WORD_D = 64
TOPIC_D = 32
ACT_D = 32
B = 4096
L = 200


def setup_inputs(seed: int = 0) -> dict:
    key = jax.random.key(seed)
    k1, k2, k3, k4, k5, k6 = jax.random.split(key, 6)
    word_ids = jax.random.randint(k1, (B, L), 0, WORD_VOCAB)
    topic_ids = jax.random.randint(k2, (B,), 0, TOPIC_VOCAB)
    act_ids = jax.random.randint(k3, (B,), 0, ACT_VOCAB)
    word_table = jax.random.normal(k4, (WORD_VOCAB, WORD_D), dtype=jnp.float32)
    # padding_idx=0 -> row 0 is zeros in torch nn.Embedding
    word_table = word_table.at[0].set(0.0)
    topic_table = jax.random.normal(k5, (TOPIC_VOCAB, TOPIC_D), dtype=jnp.float32)
    act_table = jax.random.normal(k6, (ACT_VOCAB, ACT_D), dtype=jnp.float32)
    return {
        "word_ids": word_ids,
        "topic_ids": topic_ids,
        "act_ids": act_ids,
        "word_table": word_table,
        "topic_table": topic_table,
        "act_table": act_table,
    }


def reference(word_ids, topic_ids, act_ids, word_table, topic_table, act_table):
    # word embedding with padding_idx=0: output rows for idx==0 are zero
    mask = (word_ids != 0)[..., None].astype(word_table.dtype)
    word_emb = jnp.take(word_table, word_ids, axis=0) * mask
    topic_emb = jnp.take(topic_table, topic_ids, axis=0)
    act_emb = jnp.take(act_table, act_ids, axis=0)
    return (word_emb, topic_emb, act_emb)

if __name__ == "__main__":
    import jax
    _d = setup_inputs()
    print(jax.jit(kernel)(*tuple(_d.values())))

</pallas_src>

<mosaic_0001>
#map = affine_map<(d0, d1) -> (0)>
#map1 = affine_map<(d0, d1) -> (0, 0)>
module attributes {stable_mosaic.version = 14 : i64} {
  func.func @_body(%arg0: i32, %arg1: i32, %arg2: memref<819200xi32, #tpu.memory_space<hbm>>, %arg3: memref<4096xi32, #tpu.memory_space<hbm>>, %arg4: memref<4096xi32, #tpu.memory_space<hbm>>, %arg5: memref<100000x128xf32, #tpu.memory_space<hbm>>, %arg6: memref<1000x128xf32, #tpu.memory_space<hbm>>, %arg7: memref<1000x128xf32, #tpu.memory_space<hbm>>, %arg8: memref<819200x64xf32, #tpu.memory_space<hbm>>, %arg9: memref<4096x32xf32, #tpu.memory_space<hbm>>, %arg10: memref<4096x32xf32, #tpu.memory_space<hbm>>, %arg11: memref<128x128xf32, #tpu.memory_space<vmem>>, %arg12: memref<128x128xf32, #tpu.memory_space<vmem>>, %arg13: memref<128x64xf32, #tpu.memory_space<vmem>>, %arg14: memref<128x64xf32, #tpu.memory_space<vmem>>, %arg15: memref<128xi32, #tpu.memory_space<vmem>>, %arg16: memref<128xi32, #tpu.memory_space<vmem>>, %arg17: memref<128xi32, #tpu.memory_space<vmem>>, %arg18: memref<128xi32, #tpu.memory_space<vmem>>, %arg19: memref<128x32xf32, #tpu.memory_space<vmem>>, %arg20: memref<128x32xf32, #tpu.memory_space<vmem>>, %arg21: memref<!tpu.dma_semaphore, #tpu.memory_space<semaphore_mem>>, %arg22: memref<!tpu.dma_semaphore, #tpu.memory_space<semaphore_mem>>, %arg23: memref<!tpu.dma_semaphore, #tpu.memory_space<semaphore_mem>>, %arg24: memref<!tpu.dma_semaphore, #tpu.memory_space<semaphore_mem>>, %arg25: memref<!tpu.dma_semaphore, #tpu.memory_space<semaphore_mem>>, %arg26: memref<!tpu.dma_semaphore, #tpu.memory_space<semaphore_mem>>, %arg27: memref<!tpu.dma_semaphore, #tpu.memory_space<semaphore_mem>>) attributes {dimension_semantics = [#tpu.dimension_semantics<core_parallel>, #tpu.dimension_semantics<subcore_parallel>], iteration_bounds = array<i64: 2, 16>, scalar_prefetch = 0 : i64, scratch_operands = 17 : i64, tpu.core_type = #tpu.core_type<sc_vector_subcore>, window_params = [{transform_indices = #map}, {transform_indices = #map}, {transform_indices = #map}, {transform_indices = #map1}, {transform_indices = #map1}, {transform_indices = #map1}, {transform_indices = #map1}, {transform_indices = #map1}, {transform_indices = #map1}]} {
    %mul3A = arith.constant 2 : i32
    %mul3A_0 = arith.muli %arg1, %mul3A : i32
    %add3A = arith.addi %mul3A_0, %arg0 : i32
    %mul3A_1 = arith.constant 25600 : i32
    %mul3A_2 = arith.muli %add3A, %mul3A_1 : i32
    %mul3A_3 = arith.constant 25600 : i32
    %mul3A_4 = arith.muli %add3A, %mul3A_3 : i32
    %add3A_5 = arith.constant 0 : i32
    %add3A_6 = arith.addi %mul3A_2, %add3A_5 : i32
    %dma_start3A = tpu.memref_slice %arg2[%add3A_6] : memref<819200xi32, #tpu.memory_space<hbm>> -> memref<128xi32, #tpu.memory_space<hbm>>
    %dma_start3A_7 = tpu.memref_slice %arg2[%add3A_6] : memref<819200xi32, #tpu.memory_space<hbm>> -> memref<128xi32, #tpu.memory_space<hbm>>
    tpu.enqueue_dma source(%dma_start3A_7 : memref<128xi32, #tpu.memory_space<hbm>>) target(%arg15 : memref<128xi32, #tpu.memory_space<vmem>>) target_semaphore(%arg25 : memref<!tpu.dma_semaphore, #tpu.memory_space<semaphore_mem>>)
    %add3A_8 = arith.constant 128 : i32
    %add3A_9 = arith.addi %mul3A_2, %add3A_8 : i32
    %dma_start3A_10 = tpu.memref_slice %arg2[%add3A_9] : memref<819200xi32, #tpu.memory_space<hbm>> -> memref<128xi32, #tpu.memory_space<hbm>>
    %dma_start3A_11 = tpu.memref_slice %arg2[%add3A_9] : memref<819200xi32, #tpu.memory_space<hbm>> -> memref<128xi32, #tpu.memory_space<hbm>>
    tpu.enqueue_dma source(%dma_start3A_11 : memref<128xi32, #tpu.memory_space<hbm>>) target(%arg16 : memref<128xi32, #tpu.memory_space<vmem>>) target_semaphore(%arg26 : memref<!tpu.dma_semaphore, #tpu.memory_space<semaphore_mem>>)
    %dma_wait3A = arith.constant 0 : i32
    %dma_wait3A_12 = tpu.memref_slice %arg2[%dma_wait3A] : memref<819200xi32, #tpu.memory_space<hbm>> -> memref<128xi32, #tpu.memory_space<hbm>>
    %dma_wait3A_13 = arith.constant 0 : i32
    %dma_wait3A_14 = tpu.memref_slice %arg2[%dma_wait3A_13] : memref<819200xi32, #tpu.memory_space<hbm>> -> memref<128xi32, #tpu.memory_space<hbm>>
    tpu.wait_dma2 semaphore(%arg25 : memref<!tpu.dma_semaphore, #tpu.memory_space<semaphore_mem>>) src(%dma_wait3A_14 : memref<128xi32, #tpu.memory_space<hbm>>) dst(%arg15 : memref<128xi32, #tpu.memory_space<vmem>>)
    %dma_start3A_15 = arith.constant 0 : i32
    %dma_start3A_16 = arith.constant 0 : i32
    %dma_start3A_17 = tpu.memref_slice %arg5[%dma_start3A_15, %dma_start3A_16] : memref<100000x128xf32, #tpu.memory_space<hbm>> -> memref<100000x128xf32, #tpu.memory_space<hbm>>
    tpu.enqueue_indirect_dma source(%dma_start3A_17 : memref<100000x128xf32, #tpu.memory_space<hbm>>) target(%arg11 : memref<128x128xf32, #tpu.memory_space<vmem>>) offsets(%arg15 : memref<128xi32, #tpu.memory_space<vmem>>) semaphore(%arg21 : memref<!tpu.dma_semaphore, #tpu.memory_space<semaphore_mem>>)
    %dma_wait3A_18 = arith.constant 0 : i32
    %dma_wait3A_19 = tpu.memref_slice %arg2[%dma_wait3A_18] : memref<819200xi32, #tpu.memory_space<hbm>> -> memref<128xi32, #tpu.memory_space<hbm>>
    %dma_wait3A_20 = arith.constant 0 : i32
    %dma_wait3A_21 = tpu.memref_slice %arg2[%dma_wait3A_20] : memref<819200xi32, #tpu.memory_space<hbm>> -> memref<128xi32, #tpu.memory_space<hbm>>
    tpu.wait_dma2 semaphore(%arg26 : memref<!tpu.dma_semaphore, #tpu.memory_space<semaphore_mem>>) src(%dma_wait3A_21 : memref<128xi32, #tpu.memory_space<hbm>>) dst(%arg16 : memref<128xi32, #tpu.memory_space<vmem>>)
    %dma_start3A_22 = arith.constant 0 : i32
    %dma_start3A_23 = arith.constant 0 : i32
    %dma_start3A_24 = tpu.memref_slice %arg5[%dma_start3A_22, %dma_start3A_23] : memref<100000x128xf32, #tpu.memory_space<hbm>> -> memref<100000x128xf32, #tpu.memory_space<hbm>>
    tpu.enqueue_indirect_dma source(%dma_start3A_24 : memref<100000x128xf32, #tpu.memory_space<hbm>>) target(%arg12 : memref<128x128xf32, #tpu.memory_space<vmem>>) offsets(%arg16 : memref<128xi32, #tpu.memory_space<vmem>>) semaphore(%arg22 : memref<!tpu.dma_semaphore, #tpu.memory_space<semaphore_mem>>)
    %dma_wait3A_25 = arith.constant 0 : i32
    %dma_wait3A_26 = arith.constant 0 : i32
    %dma_wait3A_27 = tpu.memref_slice %arg5[%dma_wait3A_25, %dma_wait3A_26] : memref<100000x128xf32, #tpu.memory_space<hbm>> -> memref<100000x128xf32, #tpu.memory_space<hbm>>
    tpu.wait_indirect_dma semaphore(%arg21 : memref<!tpu.dma_semaphore, #tpu.memory_space<semaphore_mem>>) src(%dma_wait3A_27 : memref<100000x128xf32, #tpu.memory_space<hbm>>) dst(%arg11 : memref<128x128xf32, #tpu.memory_space<vmem>>)
    %add3A_28 = arith.constant 256 : i32
    %add3A_29 = arith.addi %mul3A_2, %add3A_28 : i32
    %dma_start3A_30 = tpu.memref_slice %arg2[%add3A_29] : memref<819200xi32, #tpu.memory_space<hbm>> -> memref<128xi32, #tpu.memory_space<hbm>>
    %dma_start3A_31 = tpu.memref_slice %arg2[%add3A_29] : memref<819200xi32, #tpu.memory_space<hbm>> -> memref<128xi32, #tpu.memory_space<hbm>>
    tpu.enqueue_dma source(%dma_start3A_31 : memref<128xi32, #tpu.memory_space<hbm>>) target(%arg15 : memref<128xi32, #tpu.memory_space<vmem>>) target_semaphore(%arg25 : memref<!tpu.dma_semaphore, #tpu.memory_space<semaphore_mem>>)
    %parallel_loop3A = arith.constant 0 : i32
    %parallel_loop3A_32 = arith.constant 128 : i32
    %parallel_loop3A_33 = arith.constant 1 : i32
    scf.for %parallel_loop3A_134 = %parallel_loop3A to %parallel_loop3A_32 step %parallel_loop3A_33  : i32 {
      %parallel_loop3A_135 = arith.index_cast %parallel_loop3A_134 : i32 to index
      %parallel_loop3A_136 = arith.constant 0 : index
      %parallel_loop3A_137 = tpu.vector_load %arg11[%parallel_loop3A_135, %parallel_loop3A_136] {strides = array<i32>} : memref<128x128xf32, #tpu.memory_space<vmem>>, vector<1x16xf32>,
      %parallel_loop3A_138 = vector.shape_cast %parallel_loop3A_137 : vector<1x16xf32> to vector<16xf32>
      %parallel_loop3A_139 = arith.index_cast %parallel_loop3A_134 : i32 to index
      %parallel_loop3A_140 = arith.constant 0 : index
      %parallel_loop3A_141 = tpu.vector_load %arg13[%parallel_loop3A_139, %parallel_loop3A_140] {strides = array<i32>} : memref<128x64xf32, #tpu.memory_space<vmem>>, vector<1x16xf32>,
      %parallel_loop3A_142 = vector.shape_cast %parallel_loop3A_141 : vector<1x16xf32> to vector<16xf32>
      %parallel_loop3A_143 = vector.shape_cast %parallel_loop3A_138 : vector<16xf32> to vector<1x16xf32>
      tpu.vector_store %arg13[%parallel_loop3A_139, %parallel_loop3A_140], %parallel_loop3A_143 {strides = array<i32>} : memref<128x64xf32, #tpu.memory_space<vmem>>, vector<1x16xf32>,
      %parallel_loop3A_144 = arith.index_cast %parallel_loop3A_134 : i32 to index
      %parallel_loop3A_145 = arith.constant 16 : index
      %parallel_loop3A_146 = tpu.vector_load %arg11[%parallel_loop3A_144, %parallel_loop3A_145] {strides = array<i32>} : memref<128x128xf32, #tpu.memory_space<vmem>>, vector<1x16xf32>,
      %parallel_loop3A_147 = vector.shape_cast %parallel_loop3A_146 : vector<1x16xf32> to vector<16xf32>
      %parallel_loop3A_148 = arith.index_cast %parallel_loop3A_134 : i32 to index
      %parallel_loop3A_149 = arith.constant 16 : index
      %parallel_loop3A_150 = tpu.vector_load %arg13[%parallel_loop3A_148, %parallel_loop3A_149] {strides = array<i32>} : memref<128x64xf32, #tpu.memory_space<vmem>>, vector<1x16xf32>,
      %parallel_loop3A_151 = vector.shape_cast %parallel_loop3A_150 : vector<1x16xf32> to vector<16xf32>
      %parallel_loop3A_152 = vector.shape_cast %parallel_loop3A_147 : vector<16xf32> to vector<1x16xf32>
      tpu.vector_store %arg13[%parallel_loop3A_148, %parallel_loop3A_149], %parallel_loop3A_152 {strides = array<i32>} : memref<128x64xf32, #tpu.memory_space<vmem>>, vector<1x16xf32>,
      %parallel_loop3A_153 = arith.index_cast %parallel_loop3A_134 : i32 to index
      %parallel_loop3A_154 = arith.constant 32 : index
      %parallel_loop3A_155 = tpu.vector_load %arg11[%parallel_loop3A_153, %parallel_loop3A_154] {strides = array<i32>} : memref<128x128xf32, #tpu.memory_space<vmem>>, vector<1x16xf32>,
      %parallel_loop3A_156 = vector.shape_cast %parallel_loop3A_155 : vector<1x16xf32> to vector<16xf32>
      %parallel_loop3A_157 = arith.index_cast %parallel_loop3A_134 : i32 to index
      %parallel_loop3A_158 = arith.constant 32 : index
      %parallel_loop3A_159 = tpu.vector_load %arg13[%parallel_loop3A_157, %parallel_loop3A_158] {strides = array<i32>} : memref<128x64xf32, #tpu.memory_space<vmem>>, vector<1x16xf32>,
      %parallel_loop3A_160 = vector.shape_cast %parallel_loop3A_159 : vector<1x16xf32> to vector<16xf32>
      %parallel_loop3A_161 = vector.shape_cast %parallel_loop3A_156 : vector<16xf32> to vector<1x16xf32>
      tpu.vector_store %arg13[%parallel_loop3A_157, %parallel_loop3A_158], %parallel_loop3A_161 {strides = array<i32>} : memref<128x64xf32, #tpu.memory_space<vmem>>, vector<1x16xf32>,
      %parallel_loop3A_162 = arith.index_cast %parallel_loop3A_134 : i32 to index
      %parallel_loop3A_163 = arith.constant 48 : index
      %parallel_loop3A_164 = tpu.vector_load %arg11[%parallel_loop3A_162, %parallel_loop3A_163] {strides = array<i32>} : memref<128x128xf32, #tpu.memory_space<vmem>>, vector<1x16xf32>,
      %parallel_loop3A_165 = vector.shape_cast %parallel_loop3A_164 : vector<1x16xf32> to vector<16xf32>
      %parallel_loop3A_166 = arith.index_cast %parallel_loop3A_134 : i32 to index
      %parallel_loop3A_167 = arith.constant 48 : index
      %parallel_loop3A_168 = tpu.vector_load %arg13[%parallel_loop3A_166, %parallel_loop3A_167] {strides = array<i32>} : memref<128x64xf32, #tpu.memory_space<vmem>>, vector<1x16xf32>,
      %parallel_loop3A_169 = vector.shape_cast %parallel_loop3A_168 : vector<1x16xf32> to vector<16xf32>
      %parallel_loop3A_170 = vector.shape_cast %parallel_loop3A_165 : vector<16xf32> to vector<1x16xf32>
      tpu.vector_store %arg13[%parallel_loop3A_166, %parallel_loop3A_167], %parallel_loop3A_170 {strides = array<i32>} : memref<128x64xf32, #tpu.memory_space<vmem>>, vector<1x16xf32>,
    } {sc.loop_unroll_factor = 16 : i64, sc.parallel_access}
    %dma_wait3A_34 = arith.constant 0 : i32
    %dma_wait3A_35 = tpu.memref_slice %arg2[%dma_wait3A_34] : memref<819200xi32, #tpu.memory_space<hbm>> -> memref<128xi32, #tpu.memory_space<hbm>>
    %dma_wait3A_36 = arith.constant 0 : i32
    %dma_wait3A_37 = tpu.memref_slice %arg2[%dma_wait3A_36] : memref<819200xi32, #tpu.memory_space<hbm>> -> memref<128xi32, #tpu.memory_space<hbm>>
    tpu.wait_dma2 semaphore(%arg25 : memref<!tpu.dma_semaphore, #tpu.memory_space<semaphore_mem>>) src(%dma_wait3A_37 : memref<128xi32, #tpu.memory_space<hbm>>) dst(%arg15 : memref<128xi32, #tpu.memory_space<vmem>>)
    %dma_start3A_38 = arith.constant 0 : i32
    %dma_start3A_39 = arith.constant 0 : i32
    %dma_start3A_40 = tpu.memref_slice %arg5[%dma_start3A_38, %dma_start3A_39] : memref<100000x128xf32, #tpu.memory_space<hbm>> -> memref<100000x128xf32, #tpu.memory_space<hbm>>
    tpu.enqueue_indirect_dma source(%dma_start3A_40 : memref<100000x128xf32, #tpu.memory_space<hbm>>) target(%arg11 : memref<128x128xf32, #tpu.memory_space<vmem>>) offsets(%arg15 : memref<128xi32, #tpu.memory_space<vmem>>) semaphore(%arg21 : memref<!tpu.dma_semaphore, #tpu.memory_space<semaphore_mem>>)
    %add3A_41 = arith.constant 0 : i32
    %add3A_42 = arith.addi %mul3A_4, %add3A_41 : i32
    %dma_start3A_43 = arith.constant 0 : i32
    %dma_start3A_44 = tpu.memref_slice %arg8[%add3A_42, %dma_start3A_43] : memref<819200x64xf32, #tpu.memory_space<hbm>> -> memref<128x64xf32, #tpu.memory_space<hbm>>
    %dma_start3A_45 = arith.constant 0 : i32
    %dma_start3A_46 = tpu.memref_slice %arg8[%add3A_42, %dma_start3A_45] : memref<819200x64xf32, #tpu.memory_space<hbm>> -> memref<128x64xf32, #tpu.memory_space<hbm>>
    tpu.enqueue_dma source(%arg13 : memref<128x64xf32, #tpu.memory_space<vmem>>) target(%dma_start3A_46 : memref<128x64xf32, #tpu.memory_space<hbm>>) target_semaphore(%arg23 : memref<!tpu.dma_semaphore, #tpu.memory_space<semaphore_mem>>)
    %dma_wait3A_47 = arith.constant 0 : i32
    %dma_wait3A_48 = arith.constant 0 : i32
    %dma_wait3A_49 = tpu.memref_slice %arg5[%dma_wait3A_47, %dma_wait3A_48] : memref<100000x128xf32, #tpu.memory_space<hbm>> -> memref<100000x128xf32, #tpu.memory_space<hbm>>
    tpu.wait_indirect_dma semaphore(%arg22 : memref<!tpu.dma_semaphore, #tpu.memory_space<semaphore_mem>>) src(%dma_wait3A_49 : memref<100000x128xf32, #tpu.memory_space<hbm>>) dst(%arg12 : memref<128x128xf32, #tpu.memory_space<vmem>>)
    %add3A_50 = arith.constant 384 : i32
    %add3A_51 = arith.addi %mul3A_2, %add3A_50 : i32
    %dma_start3A_52 = tpu.memref_slice %arg2[%add3A_51] : memref<819200xi32, #tpu.memory_space<hbm>> -> memref<128xi32, #tpu.memory_space<hbm>>
    %dma_start3A_53 = tpu.memref_slice %arg2[%add3A_51] : memref<819200xi32, #tpu.memory_space<hbm>> -> memref<128xi32, #tpu.memory_space<hbm>>
    tpu.enqueue_dma source(%dma_start3A_53 : memref<128xi32, #tpu.memory_space<hbm>>) target(%arg16 : memref<128xi32, #tpu.memory_space<vmem>>) target_semaphore(%arg26 : memref<!tpu.dma_semaphore, #tpu.memory_space<semaphore_mem>>)
    %parallel_loop3A_54 = arith.constant 0 : i32
    %parallel_loop3A_55 = arith.constant 128 : i32
    %parallel_loop3A_56 = arith.constant 1 : i32
    scf.for %parallel_loop3A_134 = %parallel_loop3A_54 to %parallel_loop3A_55 step %parallel_loop3A_56  : i32 {
      %parallel_loop3A_135 = arith.index_cast %parallel_loop3A_134 : i32 to index
      %parallel_loop3A_136 = arith.constant 0 : index
      %parallel_loop3A_137 = tpu.vector_load %arg12[%parallel_loop3A_135, %parallel_loop3A_136] {strides = array<i32>} : memref<128x128xf32, #tpu.memory_space<vmem>>, vector<1x16xf32>,
      %parallel_loop3A_138 = vector.shape_cast %parallel_loop3A_137 : vector<1x16xf32> to vector<16xf32>
      %parallel_loop3A_139 = arith.index_cast %parallel_loop3A_134 : i32 to index
      %parallel_loop3A_140 = arith.constant 0 : index
      %parallel_loop3A_141 = tpu.vector_load %arg14[%parallel_loop3A_139, %parallel_loop3A_140] {strides = array<i32>} : memref<128x64xf32, #tpu.memory_space<vmem>>, vector<1x16xf32>,
      %parallel_loop3A_142 = vector.shape_cast %parallel_loop3A_141 : vector<1x16xf32> to vector<16xf32>
      %parallel_loop3A_143 = vector.shape_cast %parallel_loop3A_138 : vector<16xf32> to vector<1x16xf32>
      tpu.vector_store %arg14[%parallel_loop3A_139, %parallel_loop3A_140], %parallel_loop3A_143 {strides = array<i32>} : memref<128x64xf32, #tpu.memory_space<vmem>>, vector<1x16xf32>,
      %parallel_loop3A_144 = arith.index_cast %parallel_loop3A_134 : i32 to index
      %parallel_loop3A_145 = arith.constant 16 : index
      %parallel_loop3A_146 = tpu.vector_load %arg12[%parallel_loop3A_144, %parallel_loop3A_145] {strides = array<i32>} : memref<128x128xf32, #tpu.memory_space<vmem>>, vector<1x16xf32>,
      %parallel_loop3A_147 = vector.shape_cast %parallel_loop3A_146 : vector<1x16xf32> to vector<16xf32>
      %parallel_loop3A_148 = arith.index_cast %parallel_loop3A_134 : i32 to index
      %parallel_loop3A_149 = arith.constant 16 : index
      %parallel_loop3A_150 = tpu.vector_load %arg14[%parallel_loop3A_148, %parallel_loop3A_149] {strides = array<i32>} : memref<128x64xf32, #tpu.memory_space<vmem>>, vector<1x16xf32>,
      %parallel_loop3A_151 = vector.shape_cast %parallel_loop3A_150 : vector<1x16xf32> to vector<16xf32>
      %parallel_loop3A_152 = vector.shape_cast %parallel_loop3A_147 : vector<16xf32> to vector<1x16xf32>
      tpu.vector_store %arg14[%parallel_loop3A_148, %parallel_loop3A_149], %parallel_loop3A_152 {strides = array<i32>} : memref<128x64xf32, #tpu.memory_space<vmem>>, vector<1x16xf32>,
      %parallel_loop3A_153 = arith.index_cast %parallel_loop3A_134 : i32 to index
      %parallel_loop3A_154 = arith.constant 32 : index
      %parallel_loop3A_155 = tpu.vector_load %arg12[%parallel_loop3A_153, %parallel_loop3A_154] {strides = array<i32>} : memref<128x128xf32, #tpu.memory_space<vmem>>, vector<1x16xf32>,
      %parallel_loop3A_156 = vector.shape_cast %parallel_loop3A_155 : vector<1x16xf32> to vector<16xf32>
      %parallel_loop3A_157 = arith.index_cast %parallel_loop3A_134 : i32 to index
      %parallel_loop3A_158 = arith.constant 32 : index
      %parallel_loop3A_159 = tpu.vector_load %arg14[%parallel_loop3A_157, %parallel_loop3A_158] {strides = array<i32>} : memref<128x64xf32, #tpu.memory_space<vmem>>, vector<1x16xf32>,
      %parallel_loop3A_160 = vector.shape_cast %parallel_loop3A_159 : vector<1x16xf32> to vector<16xf32>
      %parallel_loop3A_161 = vector.shape_cast %parallel_loop3A_156 : vector<16xf32> to vector<1x16xf32>
      tpu.vector_store %arg14[%parallel_loop3A_157, %parallel_loop3A_158], %parallel_loop3A_161 {strides = array<i32>} : memref<128x64xf32, #tpu.memory_space<vmem>>, vector<1x16xf32>,
      %parallel_loop3A_162 = arith.index_cast %parallel_loop3A_134 : i32 to index
      %parallel_loop3A_163 = arith.constant 48 : index
      %parallel_loop3A_164 = tpu.vector_load %arg12[%parallel_loop3A_162, %parallel_loop3A_163] {strides = array<i32>} : memref<128x128xf32, #tpu.memory_space<vmem>>, vector<1x16xf32>,
      %parallel_loop3A_165 = vector.shape_cast %parallel_loop3A_164 : vector<1x16xf32> to vector<16xf32>
      %parallel_loop3A_166 = arith.index_cast %parallel_loop3A_134 : i32 to index
      %parallel_loop3A_167 = arith.constant 48 : index
      %parallel_loop3A_168 = tpu.vector_load %arg14[%parallel_loop3A_166, %parallel_loop3A_167] {strides = array<i32>} : memref<128x64xf32, #tpu.memory_space<vmem>>, vector<1x16xf32>,
      %parallel_loop3A_169 = vector.shape_cast %parallel_loop3A_168 : vector<1x16xf32> to vector<16xf32>
      %parallel_loop3A_170 = vector.shape_cast %parallel_loop3A_165 : vector<16xf32> to vector<1x16xf32>
      tpu.vector_store %arg14[%parallel_loop3A_166, %parallel_loop3A_167], %parallel_loop3A_170 {strides = array<i32>} : memref<128x64xf32, #tpu.memory_space<vmem>>, vector<1x16xf32>,
    } {sc.loop_unroll_factor = 16 : i64, sc.parallel_access}
    %dma_wait3A_57 = arith.constant 0 : i32
    %dma_wait3A_58 = tpu.memref_slice %arg2[%dma_wait3A_57] : memref<819200xi32, #tpu.memory_space<hbm>> -> memref<128xi32, #tpu.memory_space<hbm>>
    %dma_wait3A_59 = arith.constant 0 : i32
    %dma_wait3A_60 = tpu.memref_slice %arg2[%dma_wait3A_59] : memref<819200xi32, #tpu.memory_space<hbm>> -> memref<128xi32, #tpu.memory_space<hbm>>
    tpu.wait_dma2 semaphore(%arg26 : memref<!tpu.dma_semaphore, #tpu.memory_space<semaphore_mem>>) src(%dma_wait3A_60 : memref<128xi32, #tpu.memory_space<hbm>>) dst(%arg16 : memref<128xi32, #tpu.memory_space<vmem>>)
    %dma_start3A_61 = arith.constant 0 : i32
    %dma_start3A_62 = arith.constant 0 : i32
    %dma_start3A_63 = tpu.memref_slice %arg5[%dma_start3A_61, %dma_start3A_62] : memref<100000x128xf32, #tpu.memory_space<hbm>> -> memref<100000x128xf32, #tpu.memory_space<hbm>>
    tpu.enqueue_indirect_dma source(%dma_start3A_63 : memref<100000x128xf32, #tpu.memory_space<hbm>>) target(%arg12 : memref<128x128xf32, #tpu.memory_space<vmem>>) offsets(%arg16 : memref<128xi32, #tpu.memory_space<vmem>>) semaphore(%arg22 : memref<!tpu.dma_semaphore, #tpu.memory_space<semaphore_mem>>)
    %add3A_64 = arith.constant 128 : i32
    %add3A_65 = arith.addi %mul3A_4, %add3A_64 : i32
    %dma_start3A_66 = arith.constant 0 : i32
    %dma_start3A_67 = tpu.memref_slice %arg8[%add3A_65, %dma_start3A_66] : memref<819200x64xf32, #tpu.memory_space<hbm>> -> memref<128x64xf32, #tpu.memory_space<hbm>>
    %dma_start3A_68 = arith.constant 0 : i32
    %dma_start3A_69 = tpu.memref_slice %arg8[%add3A_65, %dma_start3A_68] : memref<819200x64xf32, #tpu.memory_space<hbm>> -> memref<128x64xf32, #tpu.memory_space<hbm>>
    tpu.enqueue_dma source(%arg14 : memref<128x64xf32, #tpu.memory_space<vmem>>) target(%dma_start3A_69 : memref<128x64xf32, #tpu.memory_space<hbm>>) target_semaphore(%arg24 : memref<!tpu.dma_semaphore, #tpu.memory_space<semaphore_mem>>)
    %scan3A = arith.constant 0 : i32
    %scan3A_70 = arith.constant 98 : i32
    %scan3A_71 = arith.addi %scan3A, %scan3A_70 : i32
    %scan3A_72 = arith.constant 1 : i32
    scf.for %scan3A_134 = %scan3A to %scan3A_71 step %scan3A_72  : i32 {
      %mul3A_135 = arith.constant 1 : i32
      %mul3A_136 = arith.muli %scan3A_134, %mul3A_135 : i32
      %add3A_137 = arith.constant 1 : i32
      %add3A_138 = arith.addi %add3A_137, %mul3A_136 : i32
      %mul3A_139 = arith.constant 2 : i32
      %mul3A_140 = arith.muli %add3A_138, %mul3A_139 : i32
      %add3A_141 = arith.constant 0 : i32
      %add3A_142 = arith.addi %mul3A_140, %add3A_141 : i32
      %dma_wait3A_143 = arith.constant 0 : i32
      %dma_wait3A_144 = arith.constant 0 : i32
      %dma_wait3A_145 = tpu.memref_slice %arg5[%dma_wait3A_143, %dma_wait3A_144] : memref<100000x128xf32, #tpu.memory_space<hbm>> -> memref<100000x128xf32, #tpu.memory_space<hbm>>
      tpu.wait_indirect_dma semaphore(%arg21 : memref<!tpu.dma_semaphore, #tpu.memory_space<semaphore_mem>>) src(%dma_wait3A_145 : memref<100000x128xf32, #tpu.memory_space<hbm>>) dst(%arg11 : memref<128x128xf32, #tpu.memory_space<vmem>>)
      %add3A_146 = arith.constant 2 : i32
      %add3A_147 = arith.addi %add3A_142, %add3A_146 : i32
      %mul3A_148 = arith.constant 128 : i32
      %mul3A_149 = arith.muli %add3A_147, %mul3A_148 : i32
      %add3A_150 = arith.addi %mul3A_2, %mul3A_149 : i32
      %dma_start3A_151 = tpu.memref_slice %arg2[%add3A_150] : memref<819200xi32, #tpu.memory_space<hbm>> -> memref<128xi32, #tpu.memory_space<hbm>>
      %dma_start3A_152 = tpu.memref_slice %arg2[%add3A_150] : memref<819200xi32, #tpu.memory_space<hbm>> -> memref<128xi32, #tpu.memory_space<hbm>>
      tpu.enqueue_dma source(%dma_start3A_152 : memref<128xi32, #tpu.memory_space<hbm>>) target(%arg15 : memref<128xi32, #tpu.memory_space<vmem>>) target_semaphore(%arg25 : memref<!tpu.dma_semaphore, #tpu.memory_space<semaphore_mem>>)
      %dma_wait3A_153 = arith.constant 0 : i32
      %dma_wait3A_154 = tpu.memref_slice %arg8[%mul3A_4, %dma_wait3A_153] : memref<819200x64xf32, #tpu.memory_space<hbm>> -> memref<128x64xf32, #tpu.memory_space<hbm>>
      %dma_wait3A_155 = arith.constant 0 : i32
      %dma_wait3A_156 = tpu.memref_slice %arg8[%mul3A_4, %dma_wait3A_155] : memref<819200x64xf32, #tpu.memory_space<hbm>> -> memref<128x64xf32, #tpu.memory_space<hbm>>
      tpu.wait_dma2 semaphore(%arg23 : memref<!tpu.dma_semaphore, #tpu.memory_space<semaphore_mem>>) src(%arg13 : memref<128x64xf32, #tpu.memory_space<vmem>>) dst(%dma_wait3A_156 : memref<128x64xf32, #tpu.memory_space<hbm>>)
      %parallel_loop3A_157 = arith.constant 0 : i32
      %parallel_loop3A_158 = arith.constant 128 : i32
      %parallel_loop3A_159 = arith.constant 1 : i32
      scf.for %parallel_loop3A_209 = %parallel_loop3A_157 to %parallel_loop3A_158 step %parallel_loop3A_159  : i32 {
        %parallel_loop3A_210 = arith.index_cast %parallel_loop3A_209 : i32 to index
        %parallel_loop3A_211 = arith.constant 0 : index
        %parallel_loop3A_212 = tpu.vector_load %arg11[%parallel_loop3A_210, %parallel_loop3A_211] {strides = array<i32>} : memref<128x128xf32, #tpu.memory_space<vmem>>, vector<1x16xf32>,
        %parallel_loop3A_213 = vector.shape_cast %parallel_loop3A_212 : vector<1x16xf32> to vector<16xf32>
        %parallel_loop3A_214 = arith.index_cast %parallel_loop3A_209 : i32 to index
        %parallel_loop3A_215 = arith.constant 0 : index
        %parallel_loop3A_216 = tpu.vector_load %arg13[%parallel_loop3A_214, %parallel_loop3A_215] {strides = array<i32>} : memref<128x64xf32, #tpu.memory_space<vmem>>, vector<1x16xf32>,
        %parallel_loop3A_217 = vector.shape_cast %parallel_loop3A_216 : vector<1x16xf32> to vector<16xf32>
        %parallel_loop3A_218 = vector.shape_cast %parallel_loop3A_213 : vector<16xf32> to vector<1x16xf32>
        tpu.vector_store %arg13[%parallel_loop3A_214, %parallel_loop3A_215], %parallel_loop3A_218 {strides = array<i32>} : memref<128x64xf32, #tpu.memory_space<vmem>>, vector<1x16xf32>,
        %parallel_loop3A_219 = arith.index_cast %parallel_loop3A_209 : i32 to index
        %parallel_loop3A_220 = arith.constant 16 : index
        %parallel_loop3A_221 = tpu.vector_load %arg11[%parallel_loop3A_219, %parallel_loop3A_220] {strides = array<i32>} : memref<128x128xf32, #tpu.memory_space<vmem>>, vector<1x16xf32>,
        %parallel_loop3A_222 = vector.shape_cast %parallel_loop3A_221 : vector<1x16xf32> to vector<16xf32>
        %parallel_loop3A_223 = arith.index_cast %parallel_loop3A_209 : i32 to index
        %parallel_loop3A_224 = arith.constant 16 : index
        %parallel_loop3A_225 = tpu.vector_load %arg13[%parallel_loop3A_223, %parallel_loop3A_224] {strides = array<i32>} : memref<128x64xf32, #tpu.memory_space<vmem>>, vector<1x16xf32>,
        %parallel_loop3A_226 = vector.shape_cast %parallel_loop3A_225 : vector<1x16xf32> to vector<16xf32>
        %parallel_loop3A_227 = vector.shape_cast %parallel_loop3A_222 : vector<16xf32> to vector<1x16xf32>
        tpu.vector_store %arg13[%parallel_loop3A_223, %parallel_loop3A_224], %parallel_loop3A_227 {strides = array<i32>} : memref<128x64xf32, #tpu.memory_space<vmem>>, vector<1x16xf32>,
        %parallel_loop3A_228 = arith.index_cast %parallel_loop3A_209 : i32 to index
        %parallel_loop3A_229 = arith.constant 32 : index
        %parallel_loop3A_230 = tpu.vector_load %arg11[%parallel_loop3A_228, %parallel_loop3A_229] {strides = array<i32>} : memref<128x128xf32, #tpu.memory_space<vmem>>, vector<1x16xf32>,
        %parallel_loop3A_231 = vector.shape_cast %parallel_loop3A_230 : vector<1x16xf32> to vector<16xf32>
        %parallel_loop3A_232 = arith.index_cast %parallel_loop3A_209 : i32 to index
        %parallel_loop3A_233 = arith.constant 32 : index
        %parallel_loop3A_234 = tpu.vector_load %arg13[%parallel_loop3A_232, %parallel_loop3A_233] {strides = array<i32>} : memref<128x64xf32, #tpu.memory_space<vmem>>, vector<1x16xf32>,
        %parallel_loop3A_235 = vector.shape_cast %parallel_loop3A_234 : vector<1x16xf32> to vector<16xf32>
        %parallel_loop3A_236 = vector.shape_cast %parallel_loop3A_231 : vector<16xf32> to vector<1x16xf32>
        tpu.vector_store %arg13[%parallel_loop3A_232, %parallel_loop3A_233], %parallel_loop3A_236 {strides = array<i32>} : memref<128x64xf32, #tpu.memory_space<vmem>>, vector<1x16xf32>,
        %parallel_loop3A_237 = arith.index_cast %parallel_loop3A_209 : i32 to index
        %parallel_loop3A_238 = arith.constant 48 : index
        %parallel_loop3A_239 = tpu.vector_load %arg11[%parallel_loop3A_237, %parallel_loop3A_238] {strides = array<i32>} : memref<128x128xf32, #tpu.memory_space<vmem>>, vector<1x16xf32>,
        %parallel_loop3A_240 = vector.shape_cast %parallel_loop3A_239 : vector<1x16xf32> to vector<16xf32>
        %parallel_loop3A_241 = arith.index_cast %parallel_loop3A_209 : i32 to index
        %parallel_loop3A_242 = arith.constant 48 : index
        %parallel_loop3A_243 = tpu.vector_load %arg13[%parallel_loop3A_241, %parallel_loop3A_242] {strides = array<i32>} : memref<128x64xf32, #tpu.memory_space<vmem>>, vector<1x16xf32>,
        %parallel_loop3A_244 = vector.shape_cast %parallel_loop3A_243 : vector<1x16xf32> to vector<16xf32>
        %parallel_loop3A_245 = vector.shape_cast %parallel_loop3A_240 : vector<16xf32> to vector<1x16xf32>
        tpu.vector_store %arg13[%parallel_loop3A_241, %parallel_loop3A_242], %parallel_loop3A_245 {strides = array<i32>} : memref<128x64xf32, #tpu.memory_space<vmem>>, vector<1x16xf32>,
      } {sc.loop_unroll_factor = 16 : i64, sc.parallel_access}
      %dma_wait3A_160 = arith.constant 0 : i32
      %dma_wait3A_161 = tpu.memref_slice %arg2[%dma_wait3A_160] : memref<819200xi32, #tpu.memory_space<hbm>> -> memref<128xi32, #tpu.memory_space<hbm>>
      %dma_wait3A_162 = arith.constant 0 : i32
      %dma_wait3A_163 = tpu.memref_slice %arg2[%dma_wait3A_162] : memref<819200xi32, #tpu.memory_space<hbm>> -> memref<128xi32, #tpu.memory_space<hbm>>
      tpu.wait_dma2 semaphore(%arg25 : memref<!tpu.dma_semaphore, #tpu.memory_space<semaphore_mem>>) src(%dma_wait3A_163 : memref<128xi32, #tpu.memory_space<hbm>>) dst(%arg15 : memref<128xi32, #tpu.memory_space<vmem>>)
      %dma_start3A_164 = arith.constant 0 : i32
      %dma_start3A_165 = arith.constant 0 : i32
      %dma_start3A_166 = tpu.memref_slice %arg5[%dma_start3A_164, %dma_start3A_165] : memref<100000x128xf32, #tpu.memory_space<hbm>> -> memref<100000x128xf32, #tpu.memory_space<hbm>>
      tpu.enqueue_indirect_dma source(%dma_start3A_166 : memref<100000x128xf32, #tpu.memory_space<hbm>>) target(%arg11 : memref<128x128xf32, #tpu.memory_space<vmem>>) offsets(%arg15 : memref<128xi32, #tpu.memory_space<vmem>>) semaphore(%arg21 : memref<!tpu.dma_semaphore, #tpu.memory_space<semaphore_mem>>)
      %mul3A_167 = arith.constant 128 : i32
      %mul3A_168 = arith.muli %add3A_142, %mul3A_167 : i32
      %add3A_169 = arith.addi %mul3A_4, %mul3A_168 : i32
      %dma_start3A_170 = arith.constant 0 : i32
      %dma_start3A_171 = tpu.memref_slice %arg8[%add3A_169, %dma_start3A_170] : memref<819200x64xf32, #tpu.memory_space<hbm>> -> memref<128x64xf32, #tpu.memory_space<hbm>>
      %dma_start3A_172 = arith.constant 0 : i32
      %dma_start3A_173 = tpu.memref_slice %arg8[%add3A_169, %dma_start3A_172] : memref<819200x64xf32, #tpu.memory_space<hbm>> -> memref<128x64xf32, #tpu.memory_space<hbm>>
      tpu.enqueue_dma source(%arg13 : memref<128x64xf32, #tpu.memory_space<vmem>>) target(%dma_start3A_173 : memref<128x64xf32, #tpu.memory_space<hbm>>) target_semaphore(%arg23 : memref<!tpu.dma_semaphore, #tpu.memory_space<semaphore_mem>>)
      %mul3A_174 = arith.constant 2 : i32
      %mul3A_175 = arith.muli %add3A_138, %mul3A_174 : i32
      %add3A_176 = arith.constant 1 : i32
      %add3A_177 = arith.addi %mul3A_175, %add3A_176 : i32
      %dma_wait3A_178 = arith.constant 0 : i32
      %dma_wait3A_179 = arith.constant 0 : i32
      %dma_wait3A_180 = tpu.memref_slice %arg5[%dma_wait3A_178, %dma_wait3A_179] : memref<100000x128xf32, #tpu.memory_space<hbm>> -> memref<100000x128xf32, #tpu.memory_space<hbm>>
      tpu.wait_indirect_dma semaphore(%arg22 : memref<!tpu.dma_semaphore, #tpu.memory_space<semaphore_mem>>) src(%dma_wait3A_180 : memref<100000x128xf32, #tpu.memory_space<hbm>>) dst(%arg12 : memref<128x128xf32, #tpu.memory_space<vmem>>)
      %add3A_181 = arith.constant 2 : i32
      %add3A_182 = arith.addi %add3A_177, %add3A_181 : i32
      %mul3A_183 = arith.constant 128 : i32
      %mul3A_184 = arith.muli %add3A_182, %mul3A_183 : i32
      %add3A_185 = arith.addi %mul3A_2, %mul3A_184 : i32
      %dma_start3A_186 = tpu.memref_slice %arg2[%add3A_185] : memref<819200xi32, #tpu.memory_space<hbm>> -> memref<128xi32, #tpu.memory_space<hbm>>
      %dma_start3A_187 = tpu.memref_slice %arg2[%add3A_185] : memref<819200xi32, #tpu.memory_space<hbm>> -> memref<128xi32, #tpu.memory_space<hbm>>
      tpu.enqueue_dma source(%dma_start3A_187 : memref<128xi32, #tpu.memory_space<hbm>>) target(%arg16 : memref<128xi32, #tpu.memory_space<vmem>>) target_semaphore(%arg26 : memref<!tpu.dma_semaphore, #tpu.memory_space<semaphore_mem>>)
      %dma_wait3A_188 = arith.constant 0 : i32
      %dma_wait3A_189 = tpu.memref_slice %arg8[%mul3A_4, %dma_wait3A_188] : memref<819200x64xf32, #tpu.memory_space<hbm>> -> memref<128x64xf32, #tpu.memory_space<hbm>>
      %dma_wait3A_190 = arith.constant 0 : i32
      %dma_wait3A_191 = tpu.memref_slice %arg8[%mul3A_4, %dma_wait3A_190] : memref<819200x64xf32, #tpu.memory_space<hbm>> -> memref<128x64xf32, #tpu.memory_space<hbm>>
      tpu.wait_dma2 semaphore(%arg24 : memref<!tpu.dma_semaphore, #tpu.memory_space<semaphore_mem>>) src(%arg14 : memref<128x64xf32, #tpu.memory_space<vmem>>) dst(%dma_wait3A_191 : memref<128x64xf32, #tpu.memory_space<hbm>>)
      %parallel_loop3A_192 = arith.constant 0 : i32
      %parallel_loop3A_193 = arith.constant 128 : i32
      %parallel_loop3A_194 = arith.constant 1 : i32
      scf.for %parallel_loop3A_209 = %parallel_loop3A_192 to %parallel_loop3A_193 step %parallel_loop3A_194  : i32 {
        %parallel_loop3A_210 = arith.index_cast %parallel_loop3A_209 : i32 to index
        %parallel_loop3A_211 = arith.constant 0 : index
        %parallel_loop3A_212 = tpu.vector_load %arg12[%parallel_loop3A_210, %parallel_loop3A_211] {strides = array<i32>} : memref<128x128xf32, #tpu.memory_space<vmem>>, vector<1x16xf32>,
        %parallel_loop3A_213 = vector.shape_cast %parallel_loop3A_212 : vector<1x16xf32> to vector<16xf32>
        %parallel_loop3A_214 = arith.index_cast %parallel_loop3A_209 : i32 to index
        %parallel_loop3A_215 = arith.constant 0 : index
        %parallel_loop3A_216 = tpu.vector_load %arg14[%parallel_loop3A_214, %parallel_loop3A_215] {strides = array<i32>} : memref<128x64xf32, #tpu.memory_space<vmem>>, vector<1x16xf32>,
        %parallel_loop3A_217 = vector.shape_cast %parallel_loop3A_216 : vector<1x16xf32> to vector<16xf32>
        %parallel_loop3A_218 = vector.shape_cast %parallel_loop3A_213 : vector<16xf32> to vector<1x16xf32>
        tpu.vector_store %arg14[%parallel_loop3A_214, %parallel_loop3A_215], %parallel_loop3A_218 {strides = array<i32>} : memref<128x64xf32, #tpu.memory_space<vmem>>, vector<1x16xf32>,
        %parallel_loop3A_219 = arith.index_cast %parallel_loop3A_209 : i32 to index
        %parallel_loop3A_220 = arith.constant 16 : index
        %parallel_loop3A_221 = tpu.vector_load %arg12[%parallel_loop3A_219, %parallel_loop3A_220] {strides = array<i32>} : memref<128x128xf32, #tpu.memory_space<vmem>>, vector<1x16xf32>,
        %parallel_loop3A_222 = vector.shape_cast %parallel_loop3A_221 : vector<1x16xf32> to vector<16xf32>
        %parallel_loop3A_223 = arith.index_cast %parallel_loop3A_209 : i32 to index
        %parallel_loop3A_224 = arith.constant 16 : index
        %parallel_loop3A_225 = tpu.vector_load %arg14[%parallel_loop3A_223, %parallel_loop3A_224] {strides = array<i32>} : memref<128x64xf32, #tpu.memory_space<vmem>>, vector<1x16xf32>,
        %parallel_loop3A_226 = vector.shape_cast %parallel_loop3A_225 : vector<1x16xf32> to vector<16xf32>
        %parallel_loop3A_227 = vector.shape_cast %parallel_loop3A_222 : vector<16xf32> to vector<1x16xf32>
        tpu.vector_store %arg14[%parallel_loop3A_223, %parallel_loop3A_224], %parallel_loop3A_227 {strides = array<i32>} : memref<128x64xf32, #tpu.memory_space<vmem>>, vector<1x16xf32>,
        %parallel_loop3A_228 = arith.index_cast %parallel_loop3A_209 : i32 to index
        %parallel_loop3A_229 = arith.constant 32 : index
        %parallel_loop3A_230 = tpu.vector_load %arg12[%parallel_loop3A_228, %parallel_loop3A_229] {strides = array<i32>} : memref<128x128xf32, #tpu.memory_space<vmem>>, vector<1x16xf32>,
        %parallel_loop3A_231 = vector.shape_cast %parallel_loop3A_230 : vector<1x16xf32> to vector<16xf32>
        %parallel_loop3A_232 = arith.index_cast %parallel_loop3A_209 : i32 to index
        %parallel_loop3A_233 = arith.constant 32 : index
        %parallel_loop3A_234 = tpu.vector_load %arg14[%parallel_loop3A_232, %parallel_loop3A_233] {strides = array<i32>} : memref<128x64xf32, #tpu.memory_space<vmem>>, vector<1x16xf32>,
        %parallel_loop3A_235 = vector.shape_cast %parallel_loop3A_234 : vector<1x16xf32> to vector<16xf32>
        %parallel_loop3A_236 = vector.shape_cast %parallel_loop3A_231 : vector<16xf32> to vector<1x16xf32>
        tpu.vector_store %arg14[%parallel_loop3A_232, %parallel_loop3A_233], %parallel_loop3A_236 {strides = array<i32>} : memref<128x64xf32, #tpu.memory_space<vmem>>, vector<1x16xf32>,
        %parallel_loop3A_237 = arith.index_cast %parallel_loop3A_209 : i32 to index
        %parallel_loop3A_238 = arith.constant 48 : index
        %parallel_loop3A_239 = tpu.vector_load %arg12[%parallel_loop3A_237, %parallel_loop3A_238] {strides = array<i32>} : memref<128x128xf32, #tpu.memory_space<vmem>>, vector<1x16xf32>,
        %parallel_loop3A_240 = vector.shape_cast %parallel_loop3A_239 : vector<1x16xf32> to vector<16xf32>
        %parallel_loop3A_241 = arith.index_cast %parallel_loop3A_209 : i32 to index
        %parallel_loop3A_242 = arith.constant 48 : index
        %parallel_loop3A_243 = tpu.vector_load %arg14[%parallel_loop3A_241, %parallel_loop3A_242] {strides = array<i32>} : memref<128x64xf32, #tpu.memory_space<vmem>>, vector<1x16xf32>,
        %parallel_loop3A_244 = vector.shape_cast %parallel_loop3A_243 : vector<1x16xf32> to vector<16xf32>
        %parallel_loop3A_245 = vector.shape_cast %parallel_loop3A_240 : vector<16xf32> to vector<1x16xf32>
        tpu.vector_store %arg14[%parallel_loop3A_241, %parallel_loop3A_242], %parallel_loop3A_245 {strides = array<i32>} : memref<128x64xf32, #tpu.memory_space<vmem>>, vector<1x16xf32>,
      } {sc.loop_unroll_factor = 16 : i64, sc.parallel_access}
      %dma_wait3A_195 = arith.constant 0 : i32
      %dma_wait3A_196 = tpu.memref_slice %arg2[%dma_wait3A_195] : memref<819200xi32, #tpu.memory_space<hbm>> -> memref<128xi32, #tpu.memory_space<hbm>>
      %dma_wait3A_197 = arith.constant 0 : i32
      %dma_wait3A_198 = tpu.memref_slice %arg2[%dma_wait3A_197] : memref<819200xi32, #tpu.memory_space<hbm>> -> memref<128xi32, #tpu.memory_space<hbm>>
      tpu.wait_dma2 semaphore(%arg26 : memref<!tpu.dma_semaphore, #tpu.memory_space<semaphore_mem>>) src(%dma_wait3A_198 : memref<128xi32, #tpu.memory_space<hbm>>) dst(%arg16 : memref<128xi32, #tpu.memory_space<vmem>>)
      %dma_start3A_199 = arith.constant 0 : i32
      %dma_start3A_200 = arith.constant 0 : i32
      %dma_start3A_201 = tpu.memref_slice %arg5[%dma_start3A_199, %dma_start3A_200] : memref<100000x128xf32, #tpu.memory_space<hbm>> -> memref<100000x128xf32, #tpu.memory_space<hbm>>
      tpu.enqueue_indirect_dma source(%dma_start3A_201 : memref<100000x128xf32, #tpu.memory_space<hbm>>) target(%arg12 : memref<128x128xf32, #tpu.memory_space<vmem>>) offsets(%arg16 : memref<128xi32, #tpu.memory_space<vmem>>) semaphore(%arg22 : memref<!tpu.dma_semaphore, #tpu.memory_space<semaphore_mem>>)
      %mul3A_202 = arith.constant 128 : i32
      %mul3A_203 = arith.muli %add3A_177, %mul3A_202 : i32
      %add3A_204 = arith.addi %mul3A_4, %mul3A_203 : i32
      %dma_start3A_205 = arith.constant 0 : i32
      %dma_start3A_206 = tpu.memref_slice %arg8[%add3A_204, %dma_start3A_205] : memref<819200x64xf32, #tpu.memory_space<hbm>> -> memref<128x64xf32, #tpu.memory_space<hbm>>
      %dma_start3A_207 = arith.constant 0 : i32
      %dma_start3A_208 = tpu.memref_slice %arg8[%add3A_204, %dma_start3A_207] : memref<819200x64xf32, #tpu.memory_space<hbm>> -> memref<128x64xf32, #tpu.memory_space<hbm>>
      tpu.enqueue_dma source(%arg14 : memref<128x64xf32, #tpu.memory_space<vmem>>) target(%dma_start3A_208 : memref<128x64xf32, #tpu.memory_space<hbm>>) target_semaphore(%arg24 : memref<!tpu.dma_semaphore, #tpu.memory_space<semaphore_mem>>)
    }
    %scan3A_73 = arith.constant 98 : i32
    %dma_wait3A_74 = arith.constant 0 : i32
    %dma_wait3A_75 = arith.constant 0 : i32
    %dma_wait3A_76 = tpu.memref_slice %arg5[%dma_wait3A_74, %dma_wait3A_75] : memref<100000x128xf32, #tpu.memory_space<hbm>> -> memref<100000x128xf32, #tpu.memory_space<hbm>>
    tpu.wait_indirect_dma semaphore(%arg21 : memref<!tpu.dma_semaphore, #tpu.memory_space<semaphore_mem>>) src(%dma_wait3A_76 : memref<100000x128xf32, #tpu.memory_space<hbm>>) dst(%arg11 : memref<128x128xf32, #tpu.memory_space<vmem>>)
    %dma_wait3A_77 = arith.constant 0 : i32
    %dma_wait3A_78 = tpu.memref_slice %arg8[%mul3A_4, %dma_wait3A_77] : memref<819200x64xf32, #tpu.memory_space<hbm>> -> memref<128x64xf32, #tpu.memory_space<hbm>>
    %dma_wait3A_79 = arith.constant 0 : i32
    %dma_wait3A_80 = tpu.memref_slice %arg8[%mul3A_4, %dma_wait3A_79] : memref<819200x64xf32, #tpu.memory_space<hbm>> -> memref<128x64xf32, #tpu.memory_space<hbm>>
    tpu.wait_dma2 semaphore(%arg23 : memref<!tpu.dma_semaphore, #tpu.memory_space<semaphore_mem>>) src(%arg13 : memref<128x64xf32, #tpu.memory_space<vmem>>) dst(%dma_wait3A_80 : memref<128x64xf32, #tpu.memory_space<hbm>>)
    %parallel_loop3A_81 = arith.constant 0 : i32
    %parallel_loop3A_82 = arith.constant 128 : i32
    %parallel_loop3A_83 = arith.constant 1 : i32
    scf.for %parallel_loop3A_134 = %parallel_loop3A_81 to %parallel_loop3A_82 step %parallel_loop3A_83  : i32 {
      %parallel_loop3A_135 = arith.index_cast %parallel_loop3A_134 : i32 to index
      %parallel_loop3A_136 = arith.constant 0 : index
      %parallel_loop3A_137 = tpu.vector_load %arg11[%parallel_loop3A_135, %parallel_loop3A_136] {strides = array<i32>} : memref<128x128xf32, #tpu.memory_space<vmem>>, vector<1x16xf32>,
      %parallel_loop3A_138 = vector.shape_cast %parallel_loop3A_137 : vector<1x16xf32> to vector<16xf32>
      %parallel_loop3A_139 = arith.index_cast %parallel_loop3A_134 : i32 to index
      %parallel_loop3A_140 = arith.constant 0 : index
      %parallel_loop3A_141 = tpu.vector_load %arg13[%parallel_loop3A_139, %parallel_loop3A_140] {strides = array<i32>} : memref<128x64xf32, #tpu.memory_space<vmem>>, vector<1x16xf32>,
      %parallel_loop3A_142 = vector.shape_cast %parallel_loop3A_141 : vector<1x16xf32> to vector<16xf32>
      %parallel_loop3A_143 = vector.shape_cast %parallel_loop3A_138 : vector<16xf32> to vector<1x16xf32>
      tpu.vector_store %arg13[%parallel_loop3A_139, %parallel_loop3A_140], %parallel_loop3A_143 {strides = array<i32>} : memref<128x64xf32, #tpu.memory_space<vmem>>, vector<1x16xf32>,
      %parallel_loop3A_144 = arith.index_cast %parallel_loop3A_134 : i32 to index
      %parallel_loop3A_145 = arith.constant 16 : index
      %parallel_loop3A_146 = tpu.vector_load %arg11[%parallel_loop3A_144, %parallel_loop3A_145] {strides = array<i32>} : memref<128x128xf32, #tpu.memory_space<vmem>>, vector<1x16xf32>,
      %parallel_loop3A_147 = vector.shape_cast %parallel_loop3A_146 : vector<1x16xf32> to vector<16xf32>
      %parallel_loop3A_148 = arith.index_cast %parallel_loop3A_134 : i32 to index
      %parallel_loop3A_149 = arith.constant 16 : index
      %parallel_loop3A_150 = tpu.vector_load %arg13[%parallel_loop3A_148, %parallel_loop3A_149] {strides = array<i32>} : memref<128x64xf32, #tpu.memory_space<vmem>>, vector<1x16xf32>,
      %parallel_loop3A_151 = vector.shape_cast %parallel_loop3A_150 : vector<1x16xf32> to vector<16xf32>
      %parallel_loop3A_152 = vector.shape_cast %parallel_loop3A_147 : vector<16xf32> to vector<1x16xf32>
      tpu.vector_store %arg13[%parallel_loop3A_148, %parallel_loop3A_149], %parallel_loop3A_152 {strides = array<i32>} : memref<128x64xf32, #tpu.memory_space<vmem>>, vector<1x16xf32>,
      %parallel_loop3A_153 = arith.index_cast %parallel_loop3A_134 : i32 to index
      %parallel_loop3A_154 = arith.constant 32 : index
      %parallel_loop3A_155 = tpu.vector_load %arg11[%parallel_loop3A_153, %parallel_loop3A_154] {strides = array<i32>} : memref<128x128xf32, #tpu.memory_space<vmem>>, vector<1x16xf32>,
      %parallel_loop3A_156 = vector.shape_cast %parallel_loop3A_155 : vector<1x16xf32> to vector<16xf32>
      %parallel_loop3A_157 = arith.index_cast %parallel_loop3A_134 : i32 to index
      %parallel_loop3A_158 = arith.constant 32 : index
      %parallel_loop3A_159 = tpu.vector_load %arg13[%parallel_loop3A_157, %parallel_loop3A_158] {strides = array<i32>} : memref<128x64xf32, #tpu.memory_space<vmem>>, vector<1x16xf32>,
      %parallel_loop3A_160 = vector.shape_cast %parallel_loop3A_159 : vector<1x16xf32> to vector<16xf32>
      %parallel_loop3A_161 = vector.shape_cast %parallel_loop3A_156 : vector<16xf32> to vector<1x16xf32>
      tpu.vector_store %arg13[%parallel_loop3A_157, %parallel_loop3A_158], %parallel_loop3A_161 {strides = array<i32>} : memref<128x64xf32, #tpu.memory_space<vmem>>, vector<1x16xf32>,
      %parallel_loop3A_162 = arith.index_cast %parallel_loop3A_134 : i32 to index
      %parallel_loop3A_163 = arith.constant 48 : index
      %parallel_loop3A_164 = tpu.vector_load %arg11[%parallel_loop3A_162, %parallel_loop3A_163] {strides = array<i32>} : memref<128x128xf32, #tpu.memory_space<vmem>>, vector<1x16xf32>,
      %parallel_loop3A_165 = vector.shape_cast %parallel_loop3A_164 : vector<1x16xf32> to vector<16xf32>
      %parallel_loop3A_166 = arith.index_cast %parallel_loop3A_134 : i32 to index
      %parallel_loop3A_167 = arith.constant 48 : index
      %parallel_loop3A_168 = tpu.vector_load %arg13[%parallel_loop3A_166, %parallel_loop3A_167] {strides = array<i32>} : memref<128x64xf32, #tpu.memory_space<vmem>>, vector<1x16xf32>,
      %parallel_loop3A_169 = vector.shape_cast %parallel_loop3A_168 : vector<1x16xf32> to vector<16xf32>
      %parallel_loop3A_170 = vector.shape_cast %parallel_loop3A_165 : vector<16xf32> to vector<1x16xf32>
      tpu.vector_store %arg13[%parallel_loop3A_166, %parallel_loop3A_167], %parallel_loop3A_170 {strides = array<i32>} : memref<128x64xf32, #tpu.memory_space<vmem>>, vector<1x16xf32>,
    } {sc.loop_unroll_factor = 16 : i64, sc.parallel_access}
    %add3A_84 = arith.constant 25344 : i32
    %add3A_85 = arith.addi %mul3A_4, %add3A_84 : i32
    %dma_start3A_86 = arith.constant 0 : i32
    %dma_start3A_87 = tpu.memref_slice %arg8[%add3A_85, %dma_start3A_86] : memref<819200x64xf32, #tpu.memory_space<hbm>> -> memref<128x64xf32, #tpu.memory_space<hbm>>
    %dma_start3A_88 = arith.constant 0 : i32
    %dma_start3A_89 = tpu.memref_slice %arg8[%add3A_85, %dma_start3A_88] : memref<819200x64xf32, #tpu.memory_space<hbm>> -> memref<128x64xf32, #tpu.memory_space<hbm>>
    tpu.enqueue_dma source(%arg13 : memref<128x64xf32, #tpu.memory_space<vmem>>) target(%dma_start3A_89 : memref<128x64xf32, #tpu.memory_space<hbm>>) target_semaphore(%arg23 : memref<!tpu.dma_semaphore, #tpu.memory_space<semaphore_mem>>)
    %dma_wait3A_90 = arith.constant 0 : i32
    %dma_wait3A_91 = arith.constant 0 : i32
    %dma_wait3A_92 = tpu.memref_slice %arg5[%dma_wait3A_90, %dma_wait3A_91] : memref<100000x128xf32, #tpu.memory_space<hbm>> -> memref<100000x128xf32, #tpu.memory_space<hbm>>
    tpu.wait_indirect_dma semaphore(%arg22 : memref<!tpu.dma_semaphore, #tpu.memory_space<semaphore_mem>>) src(%dma_wait3A_92 : memref<100000x128xf32, #tpu.memory_space<hbm>>) dst(%arg12 : memref<128x128xf32, #tpu.memory_space<vmem>>)
    %dma_wait3A_93 = arith.constant 0 : i32
    %dma_wait3A_94 = tpu.memref_slice %arg8[%mul3A_4, %dma_wait3A_93] : memref<819200x64xf32, #tpu.memory_space<hbm>> -> memref<128x64xf32, #tpu.memory_space<hbm>>
    %dma_wait3A_95 = arith.constant 0 : i32
    %dma_wait3A_96 = tpu.memref_slice %arg8[%mul3A_4, %dma_wait3A_95] : memref<819200x64xf32, #tpu.memory_space<hbm>> -> memref<128x64xf32, #tpu.memory_space<hbm>>
    tpu.wait_dma2 semaphore(%arg24 : memref<!tpu.dma_semaphore, #tpu.memory_space<semaphore_mem>>) src(%arg14 : memref<128x64xf32, #tpu.memory_space<vmem>>) dst(%dma_wait3A_96 : memref<128x64xf32, #tpu.memory_space<hbm>>)
    %parallel_loop3A_97 = arith.constant 0 : i32
    %parallel_loop3A_98 = arith.constant 128 : i32
    %parallel_loop3A_99 = arith.constant 1 : i32
    scf.for %parallel_loop3A_134 = %parallel_loop3A_97 to %parallel_loop3A_98 step %parallel_loop3A_99  : i32 {
      %parallel_loop3A_135 = arith.index_cast %parallel_loop3A_134 : i32 to index
      %parallel_loop3A_136 = arith.constant 0 : index
      %parallel_loop3A_137 = tpu.vector_load %arg12[%parallel_loop3A_135, %parallel_loop3A_136] {strides = array<i32>} : memref<128x128xf32, #tpu.memory_space<vmem>>, vector<1x16xf32>,
      %parallel_loop3A_138 = vector.shape_cast %parallel_loop3A_137 : vector<1x16xf32> to vector<16xf32>
      %parallel_loop3A_139 = arith.index_cast %parallel_loop3A_134 : i32 to index
      %parallel_loop3A_140 = arith.constant 0 : index
      %parallel_loop3A_141 = tpu.vector_load %arg14[%parallel_loop3A_139, %parallel_loop3A_140] {strides = array<i32>} : memref<128x64xf32, #tpu.memory_space<vmem>>, vector<1x16xf32>,
      %parallel_loop3A_142 = vector.shape_cast %parallel_loop3A_141 : vector<1x16xf32> to vector<16xf32>
      %parallel_loop3A_143 = vector.shape_cast %parallel_loop3A_138 : vector<16xf32> to vector<1x16xf32>
      tpu.vector_store %arg14[%parallel_loop3A_139, %parallel_loop3A_140], %parallel_loop3A_143 {strides = array<i32>} : memref<128x64xf32, #tpu.memory_space<vmem>>, vector<1x16xf32>,
      %parallel_loop3A_144 = arith.index_cast %parallel_loop3A_134 : i32 to index
      %parallel_loop3A_145 = arith.constant 16 : index
      %parallel_loop3A_146 = tpu.vector_load %arg12[%parallel_loop3A_144, %parallel_loop3A_145] {strides = array<i32>} : memref<128x128xf32, #tpu.memory_space<vmem>>, vector<1x16xf32>,
      %parallel_loop3A_147 = vector.shape_cast %parallel_loop3A_146 : vector<1x16xf32> to vector<16xf32>
      %parallel_loop3A_148 = arith.index_cast %parallel_loop3A_134 : i32 to index
      %parallel_loop3A_149 = arith.constant 16 : index
      %parallel_loop3A_150 = tpu.vector_load %arg14[%parallel_loop3A_148, %parallel_loop3A_149] {strides = array<i32>} : memref<128x64xf32, #tpu.memory_space<vmem>>, vector<1x16xf32>,
      %parallel_loop3A_151 = vector.shape_cast %parallel_loop3A_150 : vector<1x16xf32> to vector<16xf32>
      %parallel_loop3A_152 = vector.shape_cast %parallel_loop3A_147 : vector<16xf32> to vector<1x16xf32>
      tpu.vector_store %arg14[%parallel_loop3A_148, %parallel_loop3A_149], %parallel_loop3A_152 {strides = array<i32>} : memref<128x64xf32, #tpu.memory_space<vmem>>, vector<1x16xf32>,
      %parallel_loop3A_153 = arith.index_cast %parallel_loop3A_134 : i32 to index
      %parallel_loop3A_154 = arith.constant 32 : index
      %parallel_loop3A_155 = tpu.vector_load %arg12[%parallel_loop3A_153, %parallel_loop3A_154] {strides = array<i32>} : memref<128x128xf32, #tpu.memory_space<vmem>>, vector<1x16xf32>,
      %parallel_loop3A_156 = vector.shape_cast %parallel_loop3A_155 : vector<1x16xf32> to vector<16xf32>
      %parallel_loop3A_157 = arith.index_cast %parallel_loop3A_134 : i32 to index
      %parallel_loop3A_158 = arith.constant 32 : index
      %parallel_loop3A_159 = tpu.vector_load %arg14[%parallel_loop3A_157, %parallel_loop3A_158] {strides = array<i32>} : memref<128x64xf32, #tpu.memory_space<vmem>>, vector<1x16xf32>,
      %parallel_loop3A_160 = vector.shape_cast %parallel_loop3A_159 : vector<1x16xf32> to vector<16xf32>
      %parallel_loop3A_161 = vector.shape_cast %parallel_loop3A_156 : vector<16xf32> to vector<1x16xf32>
      tpu.vector_store %arg14[%parallel_loop3A_157, %parallel_loop3A_158], %parallel_loop3A_161 {strides = array<i32>} : memref<128x64xf32, #tpu.memory_space<vmem>>, vector<1x16xf32>,
      %parallel_loop3A_162 = arith.index_cast %parallel_loop3A_134 : i32 to index
      %parallel_loop3A_163 = arith.constant 48 : index
      %parallel_loop3A_164 = tpu.vector_load %arg12[%parallel_loop3A_162, %parallel_loop3A_163] {strides = array<i32>} : memref<128x128xf32, #tpu.memory_space<vmem>>, vector<1x16xf32>,
      %parallel_loop3A_165 = vector.shape_cast %parallel_loop3A_164 : vector<1x16xf32> to vector<16xf32>
      %parallel_loop3A_166 = arith.index_cast %parallel_loop3A_134 : i32 to index
      %parallel_loop3A_167 = arith.constant 48 : index
      %parallel_loop3A_168 = tpu.vector_load %arg14[%parallel_loop3A_166, %parallel_loop3A_167] {strides = array<i32>} : memref<128x64xf32, #tpu.memory_space<vmem>>, vector<1x16xf32>,
      %parallel_loop3A_169 = vector.shape_cast %parallel_loop3A_168 : vector<1x16xf32> to vector<16xf32>
      %parallel_loop3A_170 = vector.shape_cast %parallel_loop3A_165 : vector<16xf32> to vector<1x16xf32>
      tpu.vector_store %arg14[%parallel_loop3A_166, %parallel_loop3A_167], %parallel_loop3A_170 {strides = array<i32>} : memref<128x64xf32, #tpu.memory_space<vmem>>, vector<1x16xf32>,
    } {sc.loop_unroll_factor = 16 : i64, sc.parallel_access}
    %add3A_100 = arith.constant 25472 : i32
    %add3A_101 = arith.addi %mul3A_4, %add3A_100 : i32
    %dma_start3A_102 = arith.constant 0 : i32
    %dma_start3A_103 = tpu.memref_slice %arg8[%add3A_101, %dma_start3A_102] : memref<819200x64xf32, #tpu.memory_space<hbm>> -> memref<128x64xf32, #tpu.memory_space<hbm>>
    %dma_start3A_104 = arith.constant 0 : i32
    %dma_start3A_105 = tpu.memref_slice %arg8[%add3A_101, %dma_start3A_104] : memref<819200x64xf32, #tpu.memory_space<hbm>> -> memref<128x64xf32, #tpu.memory_space<hbm>>
    tpu.enqueue_dma source(%arg14 : memref<128x64xf32, #tpu.memory_space<vmem>>) target(%dma_start3A_105 : memref<128x64xf32, #tpu.memory_space<hbm>>) target_semaphore(%arg24 : memref<!tpu.dma_semaphore, #tpu.memory_space<semaphore_mem>>)
    %dma_wait3A_106 = arith.constant 0 : i32
    %dma_wait3A_107 = tpu.memref_slice %arg8[%mul3A_4, %dma_wait3A_106] : memref<819200x64xf32, #tpu.memory_space<hbm>> -> memref<128x64xf32, #tpu.memory_space<hbm>>
    %dma_wait3A_108 = arith.constant 0 : i32
    %dma_wait3A_109 = tpu.memref_slice %arg8[%mul3A_4, %dma_wait3A_108] : memref<819200x64xf32, #tpu.memory_space<hbm>> -> memref<128x64xf32, #tpu.memory_space<hbm>>
    tpu.wait_dma2 semaphore(%arg23 : memref<!tpu.dma_semaphore, #tpu.memory_space<semaphore_mem>>) src(%arg13 : memref<128x64xf32, #tpu.memory_space<vmem>>) dst(%dma_wait3A_109 : memref<128x64xf32, #tpu.memory_space<hbm>>)
    %dma_wait3A_110 = arith.constant 0 : i32
    %dma_wait3A_111 = tpu.memref_slice %arg8[%mul3A_4, %dma_wait3A_110] : memref<819200x64xf32, #tpu.memory_space<hbm>> -> memref<128x64xf32, #tpu.memory_space<hbm>>
    %dma_wait3A_112 = arith.constant 0 : i32
    %dma_wait3A_113 = tpu.memref_slice %arg8[%mul3A_4, %dma_wait3A_112] : memref<819200x64xf32, #tpu.memory_space<hbm>> -> memref<128x64xf32, #tpu.memory_space<hbm>>
    tpu.wait_dma2 semaphore(%arg24 : memref<!tpu.dma_semaphore, #tpu.memory_space<semaphore_mem>>) src(%arg14 : memref<128x64xf32, #tpu.memory_space<vmem>>) dst(%dma_wait3A_113 : memref<128x64xf32, #tpu.memory_space<hbm>>)
    %mul3A_114 = arith.constant 128 : i32
    %mul3A_115 = arith.muli %add3A, %mul3A_114 : i32
    "tpu.region"() ({
      %run_scoped3A = tpu.sem_alloc : memref<!tpu.dma_semaphore, #tpu.memory_space<semaphore_mem>>
      %dma_start3A_134 = tpu.memref_slice %arg3[%mul3A_115] : memref<4096xi32, #tpu.memory_space<hbm>> -> memref<128xi32, #tpu.memory_space<hbm>>
      %dma_start3A_135 = tpu.memref_slice %arg3[%mul3A_115] : memref<4096xi32, #tpu.memory_space<hbm>> -> memref<128xi32, #tpu.memory_space<hbm>>
      tpu.enqueue_dma source(%dma_start3A_135 : memref<128xi32, #tpu.memory_space<hbm>>) target(%arg17 : memref<128xi32, #tpu.memory_space<vmem>>) target_semaphore(%run_scoped3A : memref<!tpu.dma_semaphore, #tpu.memory_space<semaphore_mem>>)
      %dma_wait3A_136 = tpu.memref_slice %arg3[%mul3A_115] : memref<4096xi32, #tpu.memory_space<hbm>> -> memref<128xi32, #tpu.memory_space<hbm>>
      %dma_wait3A_137 = tpu.memref_slice %arg3[%mul3A_115] : memref<4096xi32, #tpu.memory_space<hbm>> -> memref<128xi32, #tpu.memory_space<hbm>>
      tpu.wait_dma2 semaphore(%run_scoped3A : memref<!tpu.dma_semaphore, #tpu.memory_space<semaphore_mem>>) src(%dma_wait3A_137 : memref<128xi32, #tpu.memory_space<hbm>>) dst(%arg17 : memref<128xi32, #tpu.memory_space<vmem>>)
      tpu.yield
    }) : () -> ()
    "tpu.region"() ({
      %run_scoped3A = tpu.sem_alloc : memref<!tpu.dma_semaphore, #tpu.memory_space<semaphore_mem>>
      %dma_start3A_134 = tpu.memref_slice %arg4[%mul3A_115] : memref<4096xi32, #tpu.memory_space<hbm>> -> memref<128xi32, #tpu.memory_space<hbm>>
      %dma_start3A_135 = tpu.memref_slice %arg4[%mul3A_115] : memref<4096xi32, #tpu.memory_space<hbm>> -> memref<128xi32, #tpu.memory_space<hbm>>
      tpu.enqueue_dma source(%dma_start3A_135 : memref<128xi32, #tpu.memory_space<hbm>>) target(%arg18 : memref<128xi32, #tpu.memory_space<vmem>>) target_semaphore(%run_scoped3A : memref<!tpu.dma_semaphore, #tpu.memory_space<semaphore_mem>>)
      %dma_wait3A_136 = tpu.memref_slice %arg4[%mul3A_115] : memref<4096xi32, #tpu.memory_space<hbm>> -> memref<128xi32, #tpu.memory_space<hbm>>
      %dma_wait3A_137 = tpu.memref_slice %arg4[%mul3A_115] : memref<4096xi32, #tpu.memory_space<hbm>> -> memref<128xi32, #tpu.memory_space<hbm>>
      tpu.wait_dma2 semaphore(%run_scoped3A : memref<!tpu.dma_semaphore, #tpu.memory_space<semaphore_mem>>) src(%dma_wait3A_137 : memref<128xi32, #tpu.memory_space<hbm>>) dst(%arg18 : memref<128xi32, #tpu.memory_space<vmem>>)
      tpu.yield
    }) : () -> ()
    %dma_start3A_116 = arith.constant 0 : i32
    %dma_start3A_117 = arith.constant 0 : i32
    %dma_start3A_118 = tpu.memref_slice %arg6[%dma_start3A_116, %dma_start3A_117] : memref<1000x128xf32, #tpu.memory_space<hbm>> -> memref<1000x128xf32, #tpu.memory_space<hbm>>
    tpu.enqueue_indirect_dma source(%dma_start3A_118 : memref<1000x128xf32, #tpu.memory_space<hbm>>) target(%arg11 : memref<128x128xf32, #tpu.memory_space<vmem>>) offsets(%arg17 : memref<128xi32, #tpu.memory_space<vmem>>) semaphore(%arg27 : memref<!tpu.dma_semaphore, #tpu.memory_space<semaphore_mem>>)
    %dma_start3A_119 = arith.constant 0 : i32
    %dma_start3A_120 = arith.constant 0 : i32
    %dma_start3A_121 = tpu.memref_slice %arg7[%dma_start3A_119, %dma_start3A_120] : memref<1000x128xf32, #tpu.memory_space<hbm>> -> memref<1000x128xf32, #tpu.memory_space<hbm>>
    tpu.enqueue_indirect_dma source(%dma_start3A_121 : memref<1000x128xf32, #tpu.memory_space<hbm>>) target(%arg12 : memref<128x128xf32, #tpu.memory_space<vmem>>) offsets(%arg18 : memref<128xi32, #tpu.memory_space<vmem>>) semaphore(%arg27 : memref<!tpu.dma_semaphore, #tpu.memory_space<semaphore_mem>>)
    %dma_wait3A_122 = arith.constant 0 : i32
    %dma_wait3A_123 = arith.constant 0 : i32
    %dma_wait3A_124 = tpu.memref_slice %arg6[%dma_wait3A_122, %dma_wait3A_123] : memref<1000x128xf32, #tpu.memory_space<hbm>> -> memref<1000x128xf32, #tpu.memory_space<hbm>>
    tpu.wait_indirect_dma semaphore(%arg27 : memref<!tpu.dma_semaphore, #tpu.memory_space<semaphore_mem>>) src(%dma_wait3A_124 : memref<1000x128xf32, #tpu.memory_space<hbm>>) dst(%arg11 : memref<128x128xf32, #tpu.memory_space<vmem>>)
    %dma_wait3A_125 = arith.constant 0 : i32
    %dma_wait3A_126 = arith.constant 0 : i32
    %dma_wait3A_127 = tpu.memref_slice %arg7[%dma_wait3A_125, %dma_wait3A_126] : memref<1000x128xf32, #tpu.memory_space<hbm>> -> memref<1000x128xf32, #tpu.memory_space<hbm>>
    tpu.wait_indirect_dma semaphore(%arg27 : memref<!tpu.dma_semaphore, #tpu.memory_space<semaphore_mem>>) src(%dma_wait3A_127 : memref<1000x128xf32, #tpu.memory_space<hbm>>) dst(%arg12 : memref<128x128xf32, #tpu.memory_space<vmem>>)
    %parallel_loop3A_128 = arith.constant 0 : i32
    %parallel_loop3A_129 = arith.constant 128 : i32
    %parallel_loop3A_130 = arith.constant 1 : i32
    scf.for %parallel_loop3A_134 = %parallel_loop3A_128 to %parallel_loop3A_129 step %parallel_loop3A_130  : i32 {
      %parallel_loop3A_135 = arith.index_cast %parallel_loop3A_134 : i32 to index
      %parallel_loop3A_136 = arith.constant 0 : index
      %parallel_loop3A_137 = tpu.vector_load %arg11[%parallel_loop3A_135, %parallel_loop3A_136] {strides = array<i32>} : memref<128x128xf32, #tpu.memory_space<vmem>>, vector<1x16xf32>,
      %parallel_loop3A_138 = vector.shape_cast %parallel_loop3A_137 : vector<1x16xf32> to vector<16xf32>
      %parallel_loop3A_139 = arith.index_cast %parallel_loop3A_134 : i32 to index
      %parallel_loop3A_140 = arith.constant 0 : index
      %parallel_loop3A_141 = tpu.vector_load %arg19[%parallel_loop3A_139, %parallel_loop3A_140] {strides = array<i32>} : memref<128x32xf32, #tpu.memory_space<vmem>>, vector<1x16xf32>,
      %parallel_loop3A_142 = vector.shape_cast %parallel_loop3A_141 : vector<1x16xf32> to vector<16xf32>
      %parallel_loop3A_143 = vector.shape_cast %parallel_loop3A_138 : vector<16xf32> to vector<1x16xf32>
      tpu.vector_store %arg19[%parallel_loop3A_139, %parallel_loop3A_140], %parallel_loop3A_143 {strides = array<i32>} : memref<128x32xf32, #tpu.memory_space<vmem>>, vector<1x16xf32>,
      %parallel_loop3A_144 = arith.index_cast %parallel_loop3A_134 : i32 to index
      %parallel_loop3A_145 = arith.constant 16 : index
      %parallel_loop3A_146 = tpu.vector_load %arg11[%parallel_loop3A_144, %parallel_loop3A_145] {strides = array<i32>} : memref<128x128xf32, #tpu.memory_space<vmem>>, vector<1x16xf32>,
      %parallel_loop3A_147 = vector.shape_cast %parallel_loop3A_146 : vector<1x16xf32> to vector<16xf32>
      %parallel_loop3A_148 = arith.index_cast %parallel_loop3A_134 : i32 to index
      %parallel_loop3A_149 = arith.constant 16 : index
      %parallel_loop3A_150 = tpu.vector_load %arg19[%parallel_loop3A_148, %parallel_loop3A_149] {strides = array<i32>} : memref<128x32xf32, #tpu.memory_space<vmem>>, vector<1x16xf32>,
      %parallel_loop3A_151 = vector.shape_cast %parallel_loop3A_150 : vector<1x16xf32> to vector<16xf32>
      %parallel_loop3A_152 = vector.shape_cast %parallel_loop3A_147 : vector<16xf32> to vector<1x16xf32>
      tpu.vector_store %arg19[%parallel_loop3A_148, %parallel_loop3A_149], %parallel_loop3A_152 {strides = array<i32>} : memref<128x32xf32, #tpu.memory_space<vmem>>, vector<1x16xf32>,
    } {sc.loop_unroll_factor = 16 : i64, sc.parallel_access}
    %parallel_loop3A_131 = arith.constant 0 : i32
    %parallel_loop3A_132 = arith.constant 128 : i32
    %parallel_loop3A_133 = arith.constant 1 : i32
    scf.for %parallel_loop3A_134 = %parallel_loop3A_131 to %parallel_loop3A_132 step %parallel_loop3A_133  : i32 {
      %parallel_loop3A_135 = arith.index_cast %parallel_loop3A_134 : i32 to index
      %parallel_loop3A_136 = arith.constant 0 : index
      %parallel_loop3A_137 = tpu.vector_load %arg12[%parallel_loop3A_135, %parallel_loop3A_136] {strides = array<i32>} : memref<128x128xf32, #tpu.memory_space<vmem>>, vector<1x16xf32>,
      %parallel_loop3A_138 = vector.shape_cast %parallel_loop3A_137 : vector<1x16xf32> to vector<16xf32>
      %parallel_loop3A_139 = arith.index_cast %parallel_loop3A_134 : i32 to index
      %parallel_loop3A_140 = arith.constant 0 : index
      %parallel_loop3A_141 = tpu.vector_load %arg20[%parallel_loop3A_139, %parallel_loop3A_140] {strides = array<i32>} : memref<128x32xf32, #tpu.memory_space<vmem>>, vector<1x16xf32>,
      %parallel_loop3A_142 = vector.shape_cast %parallel_loop3A_141 : vector<1x16xf32> to vector<16xf32>
      %parallel_loop3A_143 = vector.shape_cast %parallel_loop3A_138 : vector<16xf32> to vector<1x16xf32>
      tpu.vector_store %arg20[%parallel_loop3A_139, %parallel_loop3A_140], %parallel_loop3A_143 {strides = array<i32>} : memref<128x32xf32, #tpu.memory_space<vmem>>, vector<1x16xf32>,
      %parallel_loop3A_144 = arith.index_cast %parallel_loop3A_134 : i32 to index
      %parallel_loop3A_145 = arith.constant 16 : index
      %parallel_loop3A_146 = tpu.vector_load %arg12[%parallel_loop3A_144, %parallel_loop3A_145] {strides = array<i32>} : memref<128x128xf32, #tpu.memory_space<vmem>>, vector<1x16xf32>,
      %parallel_loop3A_147 = vector.shape_cast %parallel_loop3A_146 : vector<1x16xf32> to vector<16xf32>
      %parallel_loop3A_148 = arith.index_cast %parallel_loop3A_134 : i32 to index
      %parallel_loop3A_149 = arith.constant 16 : index
      %parallel_loop3A_150 = tpu.vector_load %arg20[%parallel_loop3A_148, %parallel_loop3A_149] {strides = array<i32>} : memref<128x32xf32, #tpu.memory_space<vmem>>, vector<1x16xf32>,
      %parallel_loop3A_151 = vector.shape_cast %parallel_loop3A_150 : vector<1x16xf32> to vector<16xf32>
      %parallel_loop3A_152 = vector.shape_cast %parallel_loop3A_147 : vector<16xf32> to vector<1x16xf32>
      tpu.vector_store %arg20[%parallel_loop3A_148, %parallel_loop3A_149], %parallel_loop3A_152 {strides = array<i32>} : memref<128x32xf32, #tpu.memory_space<vmem>>, vector<1x16xf32>,
    } {sc.loop_unroll_factor = 16 : i64, sc.parallel_access}
    "tpu.region"() ({
      %run_scoped3A = tpu.sem_alloc : memref<!tpu.dma_semaphore, #tpu.memory_space<semaphore_mem>>
      %dma_start3A_134 = arith.constant 0 : i32
      %dma_start3A_135 = tpu.memref_slice %arg9[%mul3A_115, %dma_start3A_134] : memref<4096x32xf32, #tpu.memory_space<hbm>> -> memref<128x32xf32, #tpu.memory_space<hbm>>
      %dma_start3A_136 = arith.constant 0 : i32
      %dma_start3A_137 = tpu.memref_slice %arg9[%mul3A_115, %dma_start3A_136] : memref<4096x32xf32, #tpu.memory_space<hbm>> -> memref<128x32xf32, #tpu.memory_space<hbm>>
      tpu.enqueue_dma source(%arg19 : memref<128x32xf32, #tpu.memory_space<vmem>>) target(%dma_start3A_137 : memref<128x32xf32, #tpu.memory_space<hbm>>) target_semaphore(%run_scoped3A : memref<!tpu.dma_semaphore, #tpu.memory_space<semaphore_mem>>)
      %dma_wait3A_138 = arith.constant 0 : i32
      %dma_wait3A_139 = tpu.memref_slice %arg9[%mul3A_115, %dma_wait3A_138] : memref<4096x32xf32, #tpu.memory_space<hbm>> -> memref<128x32xf32, #tpu.memory_space<hbm>>
      %dma_wait3A_140 = arith.constant 0 : i32
      %dma_wait3A_141 = tpu.memref_slice %arg9[%mul3A_115, %dma_wait3A_140] : memref<4096x32xf32, #tpu.memory_space<hbm>> -> memref<128x32xf32, #tpu.memory_space<hbm>>
      tpu.wait_dma2 semaphore(%run_scoped3A : memref<!tpu.dma_semaphore, #tpu.memory_space<semaphore_mem>>) src(%arg19 : memref<128x32xf32, #tpu.memory_space<vmem>>) dst(%dma_wait3A_141 : memref<128x32xf32, #tpu.memory_space<hbm>>)
      tpu.yield
    }) : () -> ()
    "tpu.region"() ({
      %run_scoped3A = tpu.sem_alloc : memref<!tpu.dma_semaphore, #tpu.memory_space<semaphore_mem>>
      %dma_start3A_134 = arith.constant 0 : i32
      %dma_start3A_135 = tpu.memref_slice %arg10[%mul3A_115, %dma_start3A_134] : memref<4096x32xf32, #tpu.memory_space<hbm>> -> memref<128x32xf32, #tpu.memory_space<hbm>>
      %dma_start3A_136 = arith.constant 0 : i32
      %dma_start3A_137 = tpu.memref_slice %arg10[%mul3A_115, %dma_start3A_136] : memref<4096x32xf32, #tpu.memory_space<hbm>> -> memref<128x32xf32, #tpu.memory_space<hbm>>
      tpu.enqueue_dma source(%arg20 : memref<128x32xf32, #tpu.memory_space<vmem>>) target(%dma_start3A_137 : memref<128x32xf32, #tpu.memory_space<hbm>>) target_semaphore(%run_scoped3A : memref<!tpu.dma_semaphore, #tpu.memory_space<semaphore_mem>>)
      %dma_wait3A_138 = arith.constant 0 : i32
      %dma_wait3A_139 = tpu.memref_slice %arg10[%mul3A_115, %dma_wait3A_138] : memref<4096x32xf32, #tpu.memory_space<hbm>> -> memref<128x32xf32, #tpu.memory_space<hbm>>
      %dma_wait3A_140 = arith.constant 0 : i32
      %dma_wait3A_141 = tpu.memref_slice %arg10[%mul3A_115, %dma_wait3A_140] : memref<4096x32xf32, #tpu.memory_space<hbm>> -> memref<128x32xf32, #tpu.memory_space<hbm>>
      tpu.wait_dma2 semaphore(%run_scoped3A : memref<!tpu.dma_semaphore, #tpu.memory_space<semaphore_mem>>) src(%arg20 : memref<128x32xf32, #tpu.memory_space<vmem>>) dst(%dma_wait3A_141 : memref<128x32xf32, #tpu.memory_space<hbm>>)
      tpu.yield
    }) : () -> ()
    return
  }
}

</mosaic_0001>

<sc_bundles>
// kernel: _run.3.cloned.1.call-start
scs
__scs_entry_jumppad:
0x0: {  	(pc) =	sbr.rel $0x88, $3  }
0x1: {  	(tag) =	ssettag $0x0;
	lr =	simm.s32 $0x1  }
0x2: {  	[smem:$0x3F9B] =	sst lr;
	_ =	strace $0xD0000000  }
0x3: {  	_ = 	snop  }
0x4: {  	_ = 	snop  }
0x5: {  	_ = 	snop  }
0x6: {  	_ = 	snop  }
0x7: {  	_ = 	snop  }
__scs_overlays_trampoline_lowered:
0x8: {  	[smem:$0x3FAA] =	sst s0  }
0x9: {  	[smem:$0x3FAB] =	sst s1  }
0xa: {  	[smem:$0x3FAC] =	sst s2  }
0xb: {  	[smem:$0x3FAD] =	sst s3  }
0xc: {  	[smem:$0x3FAE] =	sst s4  }
0xd: {  	[smem:$0x3FAF] =	sst s5  }
0xe: {  	[smem:$0x3FB0] =	sst s6  }
0xf: {  	[smem:$0x3FB1] =	sst s7  }
0x10: {  	[smem:$0x3FB2] =	sst s8  }
0x11: {  	[smem:$0x3FB3] =	sst s9;
	s0 =	simm.s32 @!p0 $0x0  }
0x12: {  	s1 =	sld [smem:$0x3F99];
	s0 =	simm.s32 @p0 $0x1  }
0x13: {  	[smem:$0x3FB4] =	sst s0;
	s0 =	simm.s32 @!p1 $0x0  }
0x14: {  	s2 =	sld [smem:$0x3F98];
	s0 =	simm.s32 @p1 $0x1  }
0x15: {  	[smem:$0x3FB5] =	sst s0;
	s0 =	simm.s32 @!p2 $0x0  }
0x16: {  	s3 =	sld [smem:$0x3FDB];
	s0 =	simm.s32 @p2 $0x1  }
0x17: {  	s4 =	simm.s32 $0x1BF5;
	[smem:$0x3FB7] =	sst s0  }
0x18: {  	s0 =	sld [smem:$0x3F9A];
	_ =	swait.ge [sflag:s4], $0x0  }
0x19: {  	s7 =	sld [smem:$0x3F9B]  }
0x1a: {  	s8 =	sadd.s32 $0xFFFFE003, lr  }
0x1b: {  	s9 =	sadd.s32 $0xFFFFFEF7, lr;
	s5 =	simm.s32 $0xFFFFFFFF;
	p2 =	slt.u32 s8, $0xFFFFF086  }
0x1c: {  	p1 =	slt.u32 s9, $0xF7A;
	s5 =	simm.s32 @!p2 $0x0  }
0x1d: {  	s5 =	simm.s32 @p1 $0x1;
	p0 =	seq.s32 s7, s2  }
0x1e: {  	s7 =	smul.u32 @!p0 $0xF7A, s2;
	p2 =	seq.s32 @!p0 s5, $0x0  }
0x1f: {  	s9 =	smul.u32 $0xF7A, s1;
	s8 =	simm.s32 @!p0 $0x1BF5;
	p2 =	por !p2, p0  }
0x20: {  	[sflag:s8] =	ssyncset.s32 @!p0 $0xFFFFF086;
	s6 =	sadd.s32 @!p0 s3, s7;
	s7 =	simm.s32 @!p0 $0x108  }
0x21: {  	s3 =	sadd.s32 s3, s9;
	s6 =	sadd.s32 @!p0 $0x88, s6;
	s7 =	simm.s32 @p2 $0x1082  }
0x22: {  	[simem:s7], [sflag:s8] =	dma.local @!p0 [hbm:s6], $0xF7A  }
0x23: {  	s9 =	sor.u32 $0xD0000000, s2;
	s6 =	simm.s32 $0x108;
	_ =	swait.ge @!p0 [sflag:s8], $0x0  }
0x24: {  	s3 =	sadd.s32 $0x88, s3;
	s6 =	simm.s32 @!p1 $0x1082;
	[sflag:s4] =	ssyncset.s32 $0xFFFFF086  }
0x25: {  	[simem:s6], [sflag:s4] =	dma.local [hbm:s3], $0xF7A  }
0x26: {  	[smem:$0x3F9B] =	sst s1;
	(tag) =	ssettag s2;
	_ =	strace s9  }
0x27: {  	s1 =	sld [smem:$0x3FAB]  }
0x28: {  	s2 =	sld [smem:$0x3FAC]  }
0x29: {  	s4 =	sld [smem:$0x3FAE]  }
0x2a: {  	p0 =	seq.s32 s5, $0x0;
	s5 =	sld [smem:$0x3FAF]  }
0x2b: {  	s6 =	sld [smem:$0x3FB0]  }
0x2c: {  	s7 =	sld [smem:$0x3FB1]  }
0x2d: {  	s3 =	simm.s32 $0x108;
	s8 =	sld [smem:$0x3FB2]  }
0x2e: {  	s3 =	simm.s32 @!p0 $0x1082;
	s9 =	sld [smem:$0x3FB3]  }
0x2f: {  	lr =	sadd.s32 s0, s3;
	s0 =	sld [smem:$0x3FAA]  }
0x30: {  	s3 =	sld [smem:$0x3FAD]  }
0x31: {  	[smem:$0x3FB6] =	sst s10  }
0x32: {  	s10 =	sld [smem:$0x3FB4];
	_ =	sdelay $0x3  }
0x33: {  	p0 =	seq.s32 s10, $0x1;
	s10 =	sld [smem:$0x3FB6];
	_ =	sdelay $0x3  }
0x34: {  	[smem:$0x3FB6] =	sst s10  }
0x35: {  	s10 =	sld [smem:$0x3FB5];
	_ =	sdelay $0x3  }
0x36: {  	p1 =	seq.s32 s10, $0x1;
	s10 =	sld [smem:$0x3FB6];
	_ =	sdelay $0x3  }
0x37: {  	[smem:$0x3FB6] =	sst s10  }
0x38: {  	s10 =	sld [smem:$0x3FB7]  }
0x39: {  	_ = 	snop;
	(pc) =	sbr.ind lr, $3  }
0x3a: {  	_ = 	snop  }
0x3b: {  	_ = 	snop  }
0x3c: {  	p2 =	seq.s32 s10, $0x1;
	s10 =	sld [smem:$0x3FB6]  }
0x3d: {  	_ =	shalt  }
0x3e: {  	_ =	shalt  }
0x3f: {  	_ =	shalt  }
0x40: {  	_ =	shalt  }
0x41: {  	_ =	shalt  }
0x42: {  	_ =	shalt  }
0x43: {  	_ =	shalt  }
0x44: {  	_ =	shalt  }
0x45: {  	_ =	shalt  }
0x46: {  	_ =	shalt  }
0x47: {  	_ =	shalt  }
0x48: {  	_ =	shalt  }
0x49: {  	_ =	shalt  }
0x4a: {  	_ =	shalt  }
0x4b: {  	_ =	shalt  }
0x4c: {  	_ =	shalt  }
0x4d: {  	_ =	shalt  }
0x4e: {  	_ =	shalt  }
0x4f: {  	_ =	shalt  }
0x50: {  	_ =	shalt  }
0x51: {  	_ =	shalt  }
0x52: {  	_ =	shalt  }
0x53: {  	_ =	shalt  }
0x54: {  	_ =	shalt  }
0x55: {  	_ =	shalt  }
0x56: {  	_ =	shalt  }
0x57: {  	_ =	shalt  }
0x58: {  	_ =	shalt  }
0x59: {  	_ =	shalt  }
0x5a: {  	_ =	shalt  }
0x5b: {  	_ =	shalt  }
0x5c: {  	_ =	shalt  }
0x5d: {  	_ =	shalt  }
0x5e: {  	_ =	shalt  }
0x5f: {  	_ =	shalt  }
0x60: {  	_ =	shalt  }
0x61: {  	_ =	shalt  }
0x62: {  	_ =	shalt  }
0x63: {  	_ =	shalt  }
0x64: {  	_ =	shalt  }
0x65: {  	_ =	shalt  }
0x66: {  	_ =	shalt  }
0x67: {  	_ =	shalt  }
0x68: {  	_ =	shalt  }
0x69: {  	_ =	shalt  }
0x6a: {  	_ =	shalt  }
0x6b: {  	_ =	shalt  }
0x6c: {  	_ =	shalt  }
0x6d: {  	_ =	shalt  }
0x6e: {  	_ =	shalt  }
0x6f: {  	_ =	shalt  }
0x70: {  	_ =	shalt  }
0x71: {  	_ =	shalt  }
0x72: {  	_ =	shalt  }
0x73: {  	_ =	shalt  }
0x74: {  	_ =	shalt  }
0x75: {  	_ =	shalt  }
0x76: {  	_ =	shalt  }
0x77: {  	_ =	shalt  }
0x78: {  	_ =	shalt  }
0x79: {  	_ =	shalt  }
0x7a: {  	_ =	shalt  }
0x7b: {  	_ =	shalt  }
0x7c: {  	_ =	shalt  }
0x7d: {  	_ =	shalt  }
0x7e: {  	_ =	shalt  }
0x7f: {  	_ =	shalt  }
0x80: {  	_ =	shalt  }
0x81: {  	_ =	shalt  }
0x82: {  	_ =	shalt  }
0x83: {  	_ =	shalt  }
0x84: {  	_ =	shalt  }
0x85: {  	_ =	shalt  }
0x86: {  	_ =	shalt  }
0x87: {  	_ =	shalt  }
.Lfunc_end0:
.L_simem_size_0:
called_computation_lowered:
.L_overlay_start_0:
0x88: {  	s2 =	sld [smem:$0x3FD9]  }
0x89: {  	s3 =	sld [smem:$0x3FFE];
	_ =	sdelay $0x1  }
0x8a: {  	s1 =	srdreg.scid  }
0x8b: {  	s0 =	sand.u32 $0x1, s1  }
0x8c: {  	s17 =	sshll.u32 s0, $0xA;
	s2 =	sadd.s32 s3, s2  }
0x8d: {  	s2 =	sadd.s32 s2, s17  }
0x8e: {  	[smem:$0x3FC2] =	sst s2  }
0x8f: {  	_ = 	snop  }
0x90: {  	s2 =	sld [smem:$0x3FC9]  }
0x91: {  	s18 =	sld [smem:$0x3FC8]  }
0x92: {  	s4 =	sld [smem:$0x3FC7]  }
0x93: {  	s5 =	sld [smem:$0x3FC6]  }
0x94: {  	s6 =	sld [smem:$0x3FC5]  }
0x95: {  	s7 =	sld [smem:$0x3FC4];
	(tm) =	ssettm $0x1  }
0x96: {  	s8 =	sld [smem:$0x3FFB];
	_ =	sdelay $0x3  }
0x97: {  	_ =	strace s8  }
0x98: {  	s8 =	sld [smem:$0x3FFC];
	_ =	sdelay $0x3  }
0x99: {  	_ =	strace s8  }
0x9a: {  	s8 =	sld [smem:$0x3FFD];
	_ =	sdelay $0x3  }
0x9b: {  	_ =	strace s8  }
0x9c: {  	_ =	strace $0x8FFFFFFF  }
0x9d: {  	s19 =	sld [smem:$0x3FDB];
	_ =	sdelay $0x1  }
0x9e: {  	s9 =	simm.s32 $_scs_section_size  }
0x9f: {  	s10 =	simm.s32 $_size__tile_overlayer_lowered;
	s11 =	simm.s32 $_tile_overlayer_lowered  }
0xa0: {  	s22 =	simm.s32 $0x1BFF;
	s21 =	sshll.u32 s11, $0x1;
	s8 =	sadd.s32 s9, s19  }
0xa1: {  	s12 =	simm.s32 $0x0;
	s20 =	sshll.u32 s10, $0x1;
	s10 =	sadd.s32 s21, s8  }
0xa2: {  	[timem:s12], [sflag:s22] =	dma.local [hbm:s10], s20  }
0xa3: {  	_ =	swait.ge [sflag:s22], s20  }
0xa4: {  	s9 =	ssub.s32 $0x0, s20;
	[sflag:s22] =	ssyncset.done $0x0  }
0xa5: {  	[sflag:s22] =	ssyncadd.s32 s9;
	_ =	sdelay $0x1  }
0xa6: {  	s23 =	simm.s32 $0x1B8B  }
0xa7: {  	_ =	swait.ge [sflag:s23], $0x1  }
0xa8: {  	[sflag:s23] =	ssyncset.done $0x0  }
0xa9: {  	s25 =	simm.s32 $0x1B8E;
	s24 =	sld [smem:$0x3FFE];
	[sflag:s23] =	ssyncadd.s32 $0xFFFFFFFF  }
0xaa: {  	s26 =	simm.s32 $execute0_lowered;
	[smem:$0x3FD2] =	sst s25  }
0xab: {  	s10 =	sshll.u32 s26, $0x1;
	_ =	strace $0x80000046;
	[dreg:$0x1] =	wrdreg $0xFFFFFFFF  }
0xac: {  	s28 =	simm.s32 $_size_execute0_lowered;
	s8 =	sadd.s32 s8, s10;
	[dreg:$0x0] =	wrdreg $0x0  }
0xad: {  	s10 =	sshll.u32 s28, $0x1;
	[dreg:$0x2] =	wrdreg s8  }
0xae: {  	[dreg:$0x3] =	wrdreg s10  }
0xaf: {  	[dreg:$0x4] =	wrdreg $0xC0  }
0xb0: {  	_ =	task [dreg:s12], $0x5FFFF  }
0xb1: {  	[dreg:$0x1] =	wrdreg $0xFFFFFFFF  }
0xb2: {  	[dreg:$0x0] =	wrdreg $0x60  }
0xb3: {  	[dreg:$0x2] =	wrdreg s2  }
0xb4: {  	[dreg:$0x3] =	wrdreg s18  }
0xb5: {  	[dreg:$0x4] =	wrdreg s4  }
0xb6: {  	[dreg:$0x5] =	wrdreg s5  }
0xb7: {  	[dreg:$0x6] =	wrdreg s6  }
0xb8: {  	[dreg:$0x7] =	wrdreg s7  }
0xb9: {  	[dreg:$0x8] =	wrdreg s24  }
0xba: {  	[dreg:$0x9] =	wrdreg $0x9  }
0xbb: {  	_ =	task.clear_ibuf [dreg:s12], $0xAFFFF;
	_ =	strace $0x90000046  }
0xbc: {  	s29 =	simm.s32 $0x9;
	_ =	strace $0x80000048  }
0xbd: {  	_ =	swait.ge [sflag:s29], $0x1  }
0xbe: {  	[sflag:s29] =	ssyncadd.s32 $0xFFFFFFFF  }
0xbf: {  	_ =	strace $0x90000048  }
0xc0: {  	_ =	sfence  }
0xc1: {  	s30 =	sld [smem:$0x0];
	_ =	sdelay $0x2  }
0xc2: {  	s31 =	sshll.u32 s1, $0xD;
	s1 =	sshrl.u32 s1, $0x2  }
0xc3: {  	s3 =	sand.u32 $0x4000, s31;
	s1 =	sadd.s32 s1, s30  }
0xc4: {  	s0 =	sor.u32 s3, s0;
	s1 =	sshll.u32 s1, $0x11  }
0xc5: {  	s0 =	sor.u32 s1, s0  }
0xc6: {  	s0 =	sadd.s32 $0x8F2B, s0  }
0xc7: {  	[sflag:s0] =	ssyncadd.remote.s32 $0x1  }
0xc8: {  	_ =	sfence.sel $0xFFFF  }
0xc9: {  	[dreg:$0x0] =	wrdreg $0xFFFFFFFF;
	(pc) =	sbr.abs _section_cstart, $3  }
0xca: {  	[dreg:$0x1] =	wrdreg $0xFFFFFFFF  }
0xcb: {  	_ =	task.clear_ibuf [dreg:s12], $0x2FFFF;
	_ =	strace $0x9FFFFFFF  }
0xcc: {  	(tm) =	ssettm $0x7FFFFFFF  }
0xcd: {  	_ =	shalt  }
tec
execute0_lowered:
.L_overlay_start_1:
0x0: {  	(tag) =	ssettag $0x1  }
0x1: {  	s0 =	rddreg [dreg:$0x0]  }
0x2: {  	s1 =	rddreg [dreg:$0x1]  }
0x3: {  	s3 =	rddreg [dreg:$0x2]  }
0x4: {  	s2 =	rddreg [dreg:$0x3]  }
0x5: {  	s4 =	rddreg [dreg:$0x6];
	s5 =	srdreg.scid  }
0x6: {  	s7 =	stileid.u32;
	s6 =	simm.s32 $0x0;
	s28 =	simm.s32 $0x5  }
0x7: {  	s29 =	simm.s32 $0x80;
	s30 =	simm.s32 $0x6;
	s31 =	simm.s32 $0x4000  }
0x8: {  	s5 =	sand.u32 $0x1, s5;
	s7 =	sshll.u32 s7, $0x1;
	[smem:$0x7FF] =	sst s6  }
0x9: {  	s15 =	simm.s32 $0x0;
	s10 =	sor.u32 s5, s7;
	_ =	strace $0x80000047  }
0xa: {  	s5 =	ssub.s32 $0x2, s5;
	s7 =	sadd.s32 $0xC00, s4;
	s12 =	smul.u32 $0x6400, s10  }
0xb: {  	s8 =	sshll.u32 s10, $0xB;
	s9 =	sshrl.u32 s5, $0x1;
	s13 =	smul.u32 $0x64000, s10  }
0xc: {  	s4 =	sadd.s32 s8, s4;
	s5 =	ssub.s32 s5, s9;
	s8 =	sor.u32 $0x80, s12  }
0xd: {  	s20 =	sshrl.u32 s12, $0x3;
	s13 =	sadd.s32 s7, s13;
	s16 =	sor.u32 $0x100, s12  }
0xe: {  	s26 =	sadd.s32 $0xC80C00, s4;
	s11 =	sshrl.u32 s8, $0x3;
	[dreg:$0xa] =	wrdreg s13  }
0xf: {  	s9 =	sadd.s32 s0, s20;
	[dreg:$0x11] =	wrdreg s26;
	s11 =	sadd.s32 s0, s11  }
0x10: {  	s17 =	sor.u32 $0x180, s12;
	s14 =	sadd.s32 $0x20, s9;
	[dreg:$0x8] =	wrdreg s11  }
0x11: {  	s21 =	sshll.u32 s8, $0x4;
	s22 =	sadd.s32 $0x30, s9;
	[dreg:$0x9] =	wrdreg s14  }
0x12: {  	s26 =	simm.s32 $0x10080;
	s13 =	sadd.s32 s7, s21;
	[dreg:$0xb] =	wrdreg s22  }
0x13: {  	s11 =	smul.u32 $0x320000, s10;
	[dreg:$0xc] =	wrdreg s13;
	s10 =	sshll.u32 s10, $0x4  }
0x14: {  	s14 =	simm.s32 $0x7;
	s1 =	sadd.s32 s1, s10;
	s25 =	sadd.s32 s3, s10  }
0x15: {  	s3 =	simm.s32 $0x2;
	s10 =	simm.s32 $0x3;
	[dreg:$0xf] =	wrdreg s1  }
0x16: {  	s23 =	sshrl.u32 s11, $0x3;
	[dreg:$0x10] =	wrdreg s25;
	s25 =	simm.s32 $0x10000  }
0x17: {  	s1 =	simm.s32 $0x1;
	s24 =	sadd.s32 s7, s23;
	s23 =	sadd.s32 $0xC90C00, s4  }
0x18: {  	s4 =	simm.s32 $0x8000;
	s13 =	sadd.s32 $0x63000, s24;
	s12 =	sadd.s32 $0x63800, s24  }
0x19: {  	s24 =	smax.u32 s5, $0x1;
	s5 =	simm.s32 $0xC000;
	[dreg:$0xd] =	wrdreg s13  }
0x1a: {  	[dreg:$0xe] =	wrdreg s12;
	s12 =	simm.s32 $0x4;
	s13 =	simm.s32 $0x8  }
.LBB2_1:
0x1b: {  	[tilespmem:s25], [sflag:$0x5] =	stream.linear.gather [hbm4b:s9+s6], $0x80, $0x38;
	[tilespmem:$0x18200] =	vst v63  }
0x1c: {  	s18 =	rddreg [dreg:$0x8]  }
0x1d: {  	[tilespmem:s26], [sflag:$0x6] =	stream.linear.gather [hbm4b:s18+s6], $0x80, $0x38;
	[tilespmem:$0x18200] =	vst v63  }
0x1e: {  	_ =	swait.ge [sflag:s28], $0x80  }
0x1f: {  	[sflag:s28] =	ssyncset.done $0x0  }
0x20: {  	[sflag:s28] =	ssyncadd.s32 $0xFFFFFF80  }
0x21: {  	[tilespmem:s6], [sflag:$0x1] =	stream.indirect.gather [hbm4b:s2+s29], $0x80, s25, s29, $0xb8;
	[tilespmem:$0x18200] =	vst v63  }
0x22: {  	_ =	swait.ge [sflag:s30], $0x80  }
0x23: {  	[sflag:s30] =	ssyncset.done $0x0  }
0x24: {  	[sflag:s30] =	ssyncadd.s32 $0xFFFFFF80  }
0x25: {  	[tilespmem:s31], [sflag:$0x2] =	stream.indirect.gather [hbm4b:s2+s29], $0x80, s26, s29, $0xb8;
	[tilespmem:$0x18200] =	vst v63  }
0x26: {  	_ =	swait.ge [sflag:s1], $0x4000  }
0x27: {  	[sflag:s1] =	ssyncset.done $0x0  }
0x28: {  	s20 =	simm.s32 $0x400;
	s22 =	rddreg [dreg:$0x9];
	[sflag:s1] =	ssyncadd.s32 $0xFFFFC000  }
0x29: {  	[tilespmem:s25], [sflag:$0x5] =	stream.linear.gather [hbm4b:s22+s6], $0x80, $0x38;
	[tilespmem:$0x18200] =	vst v63  }
0x2a: {  	v0 =	vld [tilespmem:s20+$0x380]  }
0x2b: {  	v1 =	vld [tilespmem:s20+$0xFFFFFC80]  }
0x2c: {  	v2 =	vld [tilespmem:s20+$0xFFFFFD00]  }
0x2d: {  	v3 =	vld [tilespmem:s20+$0xFFFFFD80]  }
0x2e: {  	s18 =	simm.s32 $0x8400;
	v4 =	vld [tilespmem:s20+$0xFFFFFE00]  }
0x2f: {  	v5 =	vld [tilespmem:s20+$0xFFFFFE80];
	[tilespmem:s18+$0x380] =	vst v0  }
0x30: {  	[tilespmem:s18+$0xFFFFFC80] =	vst v1;
	v1 =	vld [tilespmem:s20+$0xFFFFFF00]  }
0x31: {  	[tilespmem:s18+$0xFFFFFD00] =	vst v2;
	v2 =	vld [tilespmem:s20+$0xFFFFFF80]  }
0x32: {  	[tilespmem:s18+$0xFFFFFD80] =	vst v3;
	v3 =	vld [tilespmem:s20+$0x0]  }
0x33: {  	[tilespmem:s18+$0xFFFFFE00] =	vst v4;
	v4 =	vld [tilespmem:s20+$0x80]  }
0x34: {  	[tilespmem:s18+$0xFFFFFE80] =	vst v5;
	v5 =	vld [tilespmem:s20+$0x100]  }
0x35: {  	v0 =	vld [tilespmem:s20+$0x390];
	[tilespmem:s18+$0xFFFFFF00] =	vst v1  }
0x36: {  	[tilespmem:s18+$0xFFFFFF80] =	vst v2;
	v1 =	vld [tilespmem:s20+$0x180]  }
0x37: {  	[tilespmem:s18+$0x0] =	vst v3;
	v2 =	vld [tilespmem:s20+$0x200]  }
0x38: {  	[tilespmem:s18+$0x80] =	vst v4;
	v3 =	vld [tilespmem:s20+$0x280]  }
0x39: {  	[tilespmem:s18+$0x100] =	vst v5;
	v4 =	vld [tilespmem:s20+$0x300]  }
0x3a: {  	v5 =	vld [tilespmem:s20+$0xFFFFFC00];
	[tilespmem:s18+$0x390] =	vst v0  }
0x3b: {  	v0 =	vld [tilespmem:s20+$0x3A0];
	[tilespmem:s18+$0x180] =	vst v1  }
0x3c: {  	v1 =	vld [tilespmem:s20+$0xFFFFFC90];
	[tilespmem:s18+$0x200] =	vst v2  }
0x3d: {  	v2 =	vld [tilespmem:s20+$0xFFFFFD10];
	[tilespmem:s18+$0x280] =	vst v3  }
0x3e: {  	v3 =	vld [tilespmem:s20+$0xFFFFFD90];
	[tilespmem:s18+$0x300] =	vst v4  }
0x3f: {  	[tilespmem:s18+$0xFFFFFC00] =	vst v5;
	v4 =	vld [tilespmem:s20+$0xFFFFFE10]  }
0x40: {  	v5 =	vld [tilespmem:s20+$0xFFFFFC10];
	[tilespmem:s18+$0x3A0] =	vst v0  }
0x41: {  	v0 =	vld [tilespmem:s20+$0x3B0];
	[tilespmem:s18+$0xFFFFFC90] =	vst v1  }
0x42: {  	[tilespmem:s18+$0xFFFFFD10] =	vst v2;
	v1 =	vld [tilespmem:s20+$0xFFFFFF10]  }
0x43: {  	[tilespmem:s18+$0xFFFFFD90] =	vst v3;
	v2 =	vld [tilespmem:s20+$0xFFFFFF90]  }
0x44: {  	[tilespmem:s18+$0xFFFFFE10] =	vst v4;
	v3 =	vld [tilespmem:s20+$0x10]  }
0x45: {  	v4 =	vld [tilespmem:s20+$0x90];
	[tilespmem:s18+$0xFFFFFC10] =	vst v5  }
0x46: {  	v5 =	vld [tilespmem:s20+$0xFFFFFC20];
	[tilespmem:s18+$0x3B0] =	vst v0  }
0x47: {  	v0 =	vld [tilespmem:s20+$0xFFFFFE90];
	[tilespmem:s18+$0xFFFFFF10] =	vst v1  }
0x48: {  	v1 =	vld [tilespmem:s20+$0x190];
	[tilespmem:s18+$0xFFFFFF90] =	vst v2  }
0x49: {  	v2 =	vld [tilespmem:s20+$0x210];
	[tilespmem:s18+$0x10] =	vst v3  }
0x4a: {  	v3 =	vld [tilespmem:s20+$0x290];
	[tilespmem:s18+$0x90] =	vst v4  }
0x4b: {  	v4 =	vld [tilespmem:s20+$0x310];
	[tilespmem:s18+$0xFFFFFC20] =	vst v5  }
0x4c: {  	[tilespmem:s18+$0xFFFFFE90] =	vst v0;
	v0 =	vld [tilespmem:s20+$0x110]  }
0x4d: {  	v5 =	vld [tilespmem:s20+$0xFFFFFC30];
	[tilespmem:s18+$0x190] =	vst v1  }
0x4e: {  	v1 =	vld [tilespmem:s20+$0xFFFFFD20];
	[tilespmem:s18+$0x210] =	vst v2  }
0x4f: {  	v2 =	vld [tilespmem:s20+$0xFFFFFDA0];
	[tilespmem:s18+$0x290] =	vst v3  }
0x50: {  	v3 =	vld [tilespmem:s20+$0xFFFFFE20];
	[tilespmem:s18+$0x310] =	vst v4  }
0x51: {  	[tilespmem:s18+$0x110] =	vst v0;
	v0 =	vld [tilespmem:s20+$0xFFFFFCA0]  }
0x52: {  	v4 =	vld [tilespmem:s20+$0xFFFFFEA0];
	[tilespmem:s18+$0xFFFFFC30] =	vst v5  }
0x53: {  	[tilespmem:s18+$0xFFFFFD20] =	vst v1;
	v1 =	vld [tilespmem:s20+$0xFFFFFFA0]  }
0x54: {  	[tilespmem:s18+$0xFFFFFDA0] =	vst v2;
	v2 =	vld [tilespmem:s20+$0x20]  }
0x55: {  	[tilespmem:s18+$0xFFFFFE20] =	vst v3;
	v3 =	vld [tilespmem:s20+$0xA0]  }
0x56: {  	[tilespmem:s18+$0xFFFFFCA0] =	vst v0;
	v0 =	vld [tilespmem:s20+$0xFFFFFF20]  }
0x57: {  	[tilespmem:s18+$0xFFFFFEA0] =	vst v4;
	v4 =	vld [tilespmem:s20+$0x120]  }
0x58: {  	[tilespmem:s18+$0xFFFFFFA0] =	vst v1;
	v1 =	vld [tilespmem:s20+$0x220]  }
0x59: {  	[tilespmem:s18+$0x20] =	vst v2;
	v2 =	vld [tilespmem:s20+$0x2A0]  }
0x5a: {  	[tilespmem:s18+$0xA0] =	vst v3;
	v3 =	vld [tilespmem:s20+$0x320]  }
0x5b: {  	[tilespmem:s18+$0xFFFFFF20] =	vst v0;
	v0 =	vld [tilespmem:s20+$0x1A0]  }
0x5c: {  	[tilespmem:s18+$0x120] =	vst v4;
	v4 =	vld [tilespmem:s20+$0xFFFFFCB0]  }
0x5d: {  	v5 =	vld [tilespmem:s20+$0xFFFFFFB0];
	[tilespmem:s18+$0x220] =	vst v1  }
0x5e: {  	v6 =	vld [tilespmem:s20+$0x30];
	[tilespmem:s18+$0x2A0] =	vst v2  }
0x5f: {  	v7 =	vld [tilespmem:s20+$0xB0];
	[tilespmem:s18+$0x320] =	vst v3  }
0x60: {  	[tilespmem:s18+$0x1A0] =	vst v0;
	v0 =	vld [tilespmem:s20+$0xFFFFFD30]  }
0x61: {  	v1 =	vld [tilespmem:s20+$0xFFFFFDB0];
	[tilespmem:s18+$0xFFFFFCB0] =	vst v4  }
0x62: {  	v2 =	vld [tilespmem:s20+$0xFFFFFE30];
	[tilespmem:s18+$0xFFFFFFB0] =	vst v5  }
0x63: {  	v3 =	vld [tilespmem:s20+$0xFFFFFEB0];
	[tilespmem:s18+$0x30] =	vst v6  }
0x64: {  	v4 =	vld [tilespmem:s20+$0xFFFFFF30];
	[tilespmem:s18+$0xB0] =	vst v7  }
0x65: {  	[tilespmem:s18+$0xFFFFFD30] =	vst v0;
	v0 =	vld [tilespmem:s20+$0x130]  }
0x66: {  	[tilespmem:s18+$0xFFFFFDB0] =	vst v1;
	v1 =	vld [tilespmem:s20+$0x1B0]  }
0x67: {  	[tilespmem:s18+$0xFFFFFE30] =	vst v2;
	v2 =	vld [tilespmem:s20+$0x230]  }
0x68: {  	[tilespmem:s18+$0xFFFFFEB0] =	vst v3;
	v3 =	vld [tilespmem:s20+$0x2B0]  }
0x69: {  	s19 =	simm.s32 $0x0;
	[tilespmem:s18+$0xFFFFFF30] =	vst v4;
	v4 =	vld [tilespmem:s20+$0x330];
	s20 =	simm.s32 $0xC00  }
.LBB2_2:
0x6a: {  	v5 =	vld [tilespmem:s20+$0x380];
	s19 =	sadd.s32 $0x10, s19;
	[tilespmem:s18+$0x130] =	vst v0  }
0x6b: {  	v0 =	vld [tilespmem:s20+$0xFFFFFC80];
	p0 =	slt.u32 s19, $0x70;
	[tilespmem:s18+$0x1B0] =	vst v1  }
0x6c: {  	v1 =	vld [tilespmem:s20+$0xFFFFFD00];
	[tilespmem:s18+$0x230] =	vst v2  }
0x6d: {  	v2 =	vld [tilespmem:s20+$0xFFFFFD80];
	[tilespmem:s18+$0x2B0] =	vst v3  }
0x6e: {  	v3 =	vld [tilespmem:s20+$0xFFFFFE00];
	[tilespmem:s18+$0x330] =	vst v4;
	s18 =	sadd.s32 $0x800, s18  }
0x6f: {  	v4 =	vld [tilespmem:s20+$0xFFFFFE80];
	[tilespmem:s18+$0x380] =	vst v5  }
0x70: {  	[tilespmem:s18+$0xFFFFFC80] =	vst v0;
	v0 =	vld [tilespmem:s20+$0x390]  }
0x71: {  	[tilespmem:s18+$0xFFFFFD00] =	vst v1;
	v1 =	vld [tilespmem:s20+$0xFFFFFF00]  }
0x72: {  	[tilespmem:s18+$0xFFFFFD80] =	vst v2;
	v2 =	vld [tilespmem:s20+$0xFFFFFF80]  }
0x73: {  	[tilespmem:s18+$0xFFFFFE00] =	vst v3;
	v3 =	vld [tilespmem:s20+$0x0]  }
0x74: {  	[tilespmem:s18+$0xFFFFFE80] =	vst v4;
	v4 =	vld [tilespmem:s20+$0x80]  }
0x75: {  	v5 =	vld [tilespmem:s20+$0x100];
	[tilespmem:s18+$0x390] =	vst v0  }
0x76: {  	[tilespmem:s18+$0xFFFFFF00] =	vst v1;
	v0 =	vld [tilespmem:s20+$0x3A0]  }
0x77: {  	[tilespmem:s18+$0xFFFFFF80] =	vst v2;
	v1 =	vld [tilespmem:s20+$0x180]  }
0x78: {  	[tilespmem:s18+$0x0] =	vst v3;
	v2 =	vld [tilespmem:s20+$0x200]  }
0x79: {  	[tilespmem:s18+$0x80] =	vst v4;
	v3 =	vld [tilespmem:s20+$0x280]  }
0x7a: {  	[tilespmem:s18+$0x100] =	vst v5;
	v4 =	vld [tilespmem:s20+$0x300]  }
0x7b: {  	v5 =	vld [tilespmem:s20+$0xFFFFFC00];
	[tilespmem:s18+$0x3A0] =	vst v0  }
0x7c: {  	[tilespmem:s18+$0x180] =	vst v1;
	v0 =	vld [tilespmem:s20+$0x3B0]  }
0x7d: {  	v1 =	vld [tilespmem:s20+$0xFFFFFC90];
	[tilespmem:s18+$0x200] =	vst v2  }
0x7e: {  	v2 =	vld [tilespmem:s20+$0xFFFFFD10];
	[tilespmem:s18+$0x280] =	vst v3  }
0x7f: {  	v3 =	vld [tilespmem:s20+$0xFFFFFD90];
	[tilespmem:s18+$0x300] =	vst v4  }
0x80: {  	[tilespmem:s18+$0xFFFFFC00] =	vst v5;
	v4 =	vld [tilespmem:s20+$0xFFFFFE10]  }
0x81: {  	v5 =	vld [tilespmem:s20+$0xFFFFFC10];
	[tilespmem:s18+$0x3B0] =	vst v0  }
0x82: {  	[tilespmem:s18+$0xFFFFFC90] =	vst v1;
	v0 =	vld [tilespmem:s20+$0xFFFFFE90]  }
0x83: {  	[tilespmem:s18+$0xFFFFFD10] =	vst v2;
	v1 =	vld [tilespmem:s20+$0xFFFFFF10]  }
0x84: {  	[tilespmem:s18+$0xFFFFFD90] =	vst v3;
	v2 =	vld [tilespmem:s20+$0xFFFFFF90]  }
0x85: {  	[tilespmem:s18+$0xFFFFFE10] =	vst v4;
	v3 =	vld [tilespmem:s20+$0x10]  }
0x86: {  	[tilespmem:s18+$0xFFFFFC10] =	vst v5;
	v4 =	vld [tilespmem:s20+$0x90]  }
0x87: {  	[tilespmem:s18+$0xFFFFFE90] =	vst v0;
	v0 =	vld [tilespmem:s20+$0x110]  }
0x88: {  	[tilespmem:s18+$0xFFFFFF10] =	vst v1;
	v1 =	vld [tilespmem:s20+$0x190]  }
0x89: {  	[tilespmem:s18+$0xFFFFFF90] =	vst v2;
	v2 =	vld [tilespmem:s20+$0x210]  }
0x8a: {  	[tilespmem:s18+$0x10] =	vst v3;
	v3 =	vld [tilespmem:s20+$0x290]  }
0x8b: {  	[tilespmem:s18+$0x90] =	vst v4;
	v4 =	vld [tilespmem:s20+$0x310]  }
0x8c: {  	v5 =	vld [tilespmem:s20+$0xFFFFFC20];
	[tilespmem:s18+$0x110] =	vst v0  }
0x8d: {  	v0 =	vld [tilespmem:s20+$0xFFFFFCA0];
	[tilespmem:s18+$0x190] =	vst v1  }
0x8e: {  	v1 =	vld [tilespmem:s20+$0xFFFFFD20];
	[tilespmem:s18+$0x210] =	vst v2  }
0x8f: {  	v2 =	vld [tilespmem:s20+$0xFFFFFDA0];
	[tilespmem:s18+$0x290] =	vst v3  }
0x90: {  	v3 =	vld [tilespmem:s20+$0xFFFFFE20];
	[tilespmem:s18+$0x310] =	vst v4  }
0x91: {  	[tilespmem:s18+$0xFFFFFC20] =	vst v5;
	v4 =	vld [tilespmem:s20+$0xFFFFFEA0]  }
0x92: {  	[tilespmem:s18+$0xFFFFFCA0] =	vst v0;
	v0 =	vld [tilespmem:s20+$0xFFFFFF20]  }
0x93: {  	[tilespmem:s18+$0xFFFFFD20] =	vst v1;
	v1 =	vld [tilespmem:s20+$0xFFFFFFA0]  }
0x94: {  	[tilespmem:s18+$0xFFFFFDA0] =	vst v2;
	v2 =	vld [tilespmem:s20+$0x20]  }
0x95: {  	[tilespmem:s18+$0xFFFFFE20] =	vst v3;
	v3 =	vld [tilespmem:s20+$0xA0]  }
0x96: {  	[tilespmem:s18+$0xFFFFFEA0] =	vst v4;
	v4 =	vld [tilespmem:s20+$0x120]  }
0x97: {  	[tilespmem:s18+$0xFFFFFF20] =	vst v0;
	v0 =	vld [tilespmem:s20+$0x1A0]  }
0x98: {  	[tilespmem:s18+$0xFFFFFFA0] =	vst v1;
	v1 =	vld [tilespmem:s20+$0x220]  }
0x99: {  	[tilespmem:s18+$0x20] =	vst v2;
	v2 =	vld [tilespmem:s20+$0x2A0]  }
0x9a: {  	[tilespmem:s18+$0xA0] =	vst v3;
	v3 =	vld [tilespmem:s20+$0x320]  }
0x9b: {  	v5 =	vld [tilespmem:s20+$0xFFFFFC30];
	[tilespmem:s18+$0x120] =	vst v4  }
0x9c: {  	v4 =	vld [tilespmem:s20+$0xFFFFFCB0];
	[tilespmem:s18+$0x1A0] =	vst v0  }
0x9d: {  	v0 =	vld [tilespmem:s20+$0xFFFFFD30];
	[tilespmem:s18+$0x220] =	vst v1  }
0x9e: {  	v1 =	vld [tilespmem:s20+$0xFFFFFDB0];
	[tilespmem:s18+$0x2A0] =	vst v2  }
0x9f: {  	v2 =	vld [tilespmem:s20+$0xFFFFFE30];
	[tilespmem:s18+$0x320] =	vst v3  }
0xa0: {  	[tilespmem:s18+$0xFFFFFC30] =	vst v5;
	v3 =	vld [tilespmem:s20+$0xFFFFFEB0]  }
0xa1: {  	[tilespmem:s18+$0xFFFFFCB0] =	vst v4;
	v4 =	vld [tilespmem:s20+$0xFFFFFF30]  }
0xa2: {  	[tilespmem:s18+$0xFFFFFD30] =	vst v0;
	v5 =	vld [tilespmem:s20+$0xFFFFFFB0]  }
0xa3: {  	[tilespmem:s18+$0xFFFFFDB0] =	vst v1;
	v6 =	vld [tilespmem:s20+$0x30]  }
0xa4: {  	[tilespmem:s18+$0xFFFFFE30] =	vst v2;
	v7 =	vld [tilespmem:s20+$0xB0]  }
.Ltmp0:
0xa5: {  	[tilespmem:s18+$0xFFFFFEB0] =	vst v3;
	v0 =	vld [tilespmem:s20+$0x130];
	(pc) =	sbr.rel @p0 .LBB2_2-.Ltmp0, $4  }
0xa6: {  	[tilespmem:s18+$0xFFFFFF30] =	vst v4;
	v1 =	vld [tilespmem:s20+$0x1B0]  }
0xa7: {  	[tilespmem:s18+$0xFFFFFFB0] =	vst v5;
	v2 =	vld [tilespmem:s20+$0x230]  }
0xa8: {  	[tilespmem:s18+$0x30] =	vst v6;
	v3 =	vld [tilespmem:s20+$0x2B0]  }
0xa9: {  	[tilespmem:s18+$0xB0] =	vst v7;
	v4 =	vld [tilespmem:s20+$0x330];
	s20 =	sadd.s32 $0x800, s20  }
0xaa: {  	[tilespmem:s18+$0x130] =	vst v0  }
0xab: {  	[tilespmem:s18+$0x1B0] =	vst v1  }
0xac: {  	[tilespmem:s18+$0x230] =	vst v2  }
0xad: {  	[tilespmem:s18+$0x2B0] =	vst v3  }
0xae: {  	[tilespmem:s18+$0x330] =	vst v4  }
0xaf: {  	_ =	swait.ge [sflag:s28], $0x80  }
0xb0: {  	[sflag:s28] =	ssyncset.done $0x0  }
0xb1: {  	[sflag:s28] =	ssyncadd.s32 $0xFFFFFF80  }
0xb2: {  	[tilespmem:s6], [sflag:$0x1] =	stream.indirect.gather [hbm4b:s2+s29], $0x80, s25, s29, $0xb8;
	[tilespmem:$0x18200] =	vst v63  }
0xb3: {  	s21 =	rddreg [dreg:$0xa]  }
0xb4: {  	[hbm4b:s21+s6] =	stream.linear.scatter [tilespmem:s4], [sflag:$0x3], $0x4000, $0x38;
	[tilespmem:$0x18200] =	vst v63  }
0xb5: {  	_ =	swait.ge [sflag:s3], $0x4000  }
0xb6: {  	[sflag:s3] =	ssyncset.done $0x0  }
0xb7: {  	s20 =	simm.s32 $0x4400;
	s22 =	rddreg [dreg:$0xb];
	[sflag:s3] =	ssyncadd.s32 $0xFFFFC000  }
0xb8: {  	[tilespmem:s26], [sflag:$0x6] =	stream.linear.gather [hbm4b:s22+s6], $0x80, $0x38;
	[tilespmem:$0x18200] =	vst v63  }
0xb9: {  	v0 =	vld [tilespmem:s20+$0x380]  }
0xba: {  	v1 =	vld [tilespmem:s20+$0xFFFFFC80]  }
0xbb: {  	v2 =	vld [tilespmem:s20+$0xFFFFFD00]  }
0xbc: {  	v3 =	vld [tilespmem:s20+$0xFFFFFD80]  }
0xbd: {  	s18 =	simm.s32 $0xC400;
	v4 =	vld [tilespmem:s20+$0xFFFFFE00]  }
0xbe: {  	v5 =	vld [tilespmem:s20+$0xFFFFFE80];
	[tilespmem:s18+$0x380] =	vst v0  }
0xbf: {  	[tilespmem:s18+$0xFFFFFC80] =	vst v1;
	v1 =	vld [tilespmem:s20+$0xFFFFFF00]  }
0xc0: {  	[tilespmem:s18+$0xFFFFFD00] =	vst v2;
	v2 =	vld [tilespmem:s20+$0xFFFFFF80]  }
0xc1: {  	[tilespmem:s18+$0xFFFFFD80] =	vst v3;
	v3 =	vld [tilespmem:s20+$0x0]  }
0xc2: {  	[tilespmem:s18+$0xFFFFFE00] =	vst v4;
	v4 =	vld [tilespmem:s20+$0x80]  }
0xc3: {  	[tilespmem:s18+$0xFFFFFE80] =	vst v5;
	v5 =	vld [tilespmem:s20+$0x100]  }
0xc4: {  	v0 =	vld [tilespmem:s20+$0x390];
	[tilespmem:s18+$0xFFFFFF00] =	vst v1  }
0xc5: {  	[tilespmem:s18+$0xFFFFFF80] =	vst v2;
	v1 =	vld [tilespmem:s20+$0x180]  }
0xc6: {  	[tilespmem:s18+$0x0] =	vst v3;
	v2 =	vld [tilespmem:s20+$0x200]  }
0xc7: {  	[tilespmem:s18+$0x80] =	vst v4;
	v3 =	vld [tilespmem:s20+$0x280]  }
0xc8: {  	[tilespmem:s18+$0x100] =	vst v5;
	v4 =	vld [tilespmem:s20+$0x300]  }
0xc9: {  	v5 =	vld [tilespmem:s20+$0xFFFFFC00];
	[tilespmem:s18+$0x390] =	vst v0  }
0xca: {  	v0 =	vld [tilespmem:s20+$0x3A0];
	[tilespmem:s18+$0x180] =	vst v1  }
0xcb: {  	v1 =	vld [tilespmem:s20+$0xFFFFFC90];
	[tilespmem:s18+$0x200] =	vst v2  }
0xcc: {  	v2 =	vld [tilespmem:s20+$0xFFFFFD10];
	[tilespmem:s18+$0x280] =	vst v3  }
0xcd: {  	v3 =	vld [tilespmem:s20+$0xFFFFFD90];
	[tilespmem:s18+$0x300] =	vst v4  }
0xce: {  	[tilespmem:s18+$0xFFFFFC00] =	vst v5;
	v4 =	vld [tilespmem:s20+$0xFFFFFE10]  }
0xcf: {  	v5 =	vld [tilespmem:s20+$0xFFFFFC10];
	[tilespmem:s18+$0x3A0] =	vst v0  }
0xd0: {  	v0 =	vld [tilespmem:s20+$0x3B0];
	[tilespmem:s18+$0xFFFFFC90] =	vst v1  }
0xd1: {  	[tilespmem:s18+$0xFFFFFD10] =	vst v2;
	v1 =	vld [tilespmem:s20+$0xFFFFFF10]  }
0xd2: {  	[tilespmem:s18+$0xFFFFFD90] =	vst v3;
	v2 =	vld [tilespmem:s20+$0xFFFFFF90]  }
0xd3: {  	[tilespmem:s18+$0xFFFFFE10] =	vst v4;
	v3 =	vld [tilespmem:s20+$0x10]  }
0xd4: {  	v4 =	vld [tilespmem:s20+$0x90];
	[tilespmem:s18+$0xFFFFFC10] =	vst v5  }
0xd5: {  	v5 =	vld [tilespmem:s20+$0xFFFFFC20];
	[tilespmem:s18+$0x3B0] =	vst v0  }
0xd6: {  	v0 =	vld [tilespmem:s20+$0xFFFFFE90];
	[tilespmem:s18+$0xFFFFFF10] =	vst v1  }
0xd7: {  	v1 =	vld [tilespmem:s20+$0x190];
	[tilespmem:s18+$0xFFFFFF90] =	vst v2  }
0xd8: {  	v2 =	vld [tilespmem:s20+$0x210];
	[tilespmem:s18+$0x10] =	vst v3  }
0xd9: {  	v3 =	vld [tilespmem:s20+$0x290];
	[tilespmem:s18+$0x90] =	vst v4  }
0xda: {  	v4 =	vld [tilespmem:s20+$0x310];
	[tilespmem:s18+$0xFFFFFC20] =	vst v5  }
0xdb: {  	[tilespmem:s18+$0xFFFFFE90] =	vst v0;
	v0 =	vld [tilespmem:s20+$0x110]  }
0xdc: {  	v5 =	vld [tilespmem:s20+$0xFFFFFC30];
	[tilespmem:s18+$0x190] =	vst v1  }
0xdd: {  	v1 =	vld [tilespmem:s20+$0xFFFFFD20];
	[tilespmem:s18+$0x210] =	vst v2  }
0xde: {  	v2 =	vld [tilespmem:s20+$0xFFFFFDA0];
	[tilespmem:s18+$0x290] =	vst v3  }
0xdf: {  	v3 =	vld [tilespmem:s20+$0xFFFFFE20];
	[tilespmem:s18+$0x310] =	vst v4  }
0xe0: {  	[tilespmem:s18+$0x110] =	vst v0;
	v0 =	vld [tilespmem:s20+$0xFFFFFCA0]  }
0xe1: {  	v4 =	vld [tilespmem:s20+$0xFFFFFEA0];
	[tilespmem:s18+$0xFFFFFC30] =	vst v5  }
0xe2: {  	[tilespmem:s18+$0xFFFFFD20] =	vst v1;
	v1 =	vld [tilespmem:s20+$0xFFFFFFA0]  }
0xe3: {  	[tilespmem:s18+$0xFFFFFDA0] =	vst v2;
	v2 =	vld [tilespmem:s20+$0x20]  }
0xe4: {  	[tilespmem:s18+$0xFFFFFE20] =	vst v3;
	v3 =	vld [tilespmem:s20+$0xA0]  }
0xe5: {  	[tilespmem:s18+$0xFFFFFCA0] =	vst v0;
	v0 =	vld [tilespmem:s20+$0xFFFFFF20]  }
0xe6: {  	[tilespmem:s18+$0xFFFFFEA0] =	vst v4;
	v4 =	vld [tilespmem:s20+$0x120]  }
0xe7: {  	[tilespmem:s18+$0xFFFFFFA0] =	vst v1;
	v1 =	vld [tilespmem:s20+$0x220]  }
0xe8: {  	[tilespmem:s18+$0x20] =	vst v2;
	v2 =	vld [tilespmem:s20+$0x2A0]  }
0xe9: {  	[tilespmem:s18+$0xA0] =	vst v3;
	v3 =	vld [tilespmem:s20+$0x320]  }
0xea: {  	[tilespmem:s18+$0xFFFFFF20] =	vst v0;
	v0 =	vld [tilespmem:s20+$0x1A0]  }
0xeb: {  	[tilespmem:s18+$0x120] =	vst v4;
	v4 =	vld [tilespmem:s20+$0xFFFFFCB0]  }
0xec: {  	v5 =	vld [tilespmem:s20+$0xFFFFFFB0];
	[tilespmem:s18+$0x220] =	vst v1  }
0xed: {  	v6 =	vld [tilespmem:s20+$0x30];
	[tilespmem:s18+$0x2A0] =	vst v2  }
0xee: {  	v7 =	vld [tilespmem:s20+$0xB0];
	[tilespmem:s18+$0x320] =	vst v3  }
0xef: {  	[tilespmem:s18+$0x1A0] =	vst v0;
	v0 =	vld [tilespmem:s20+$0xFFFFFD30]  }
0xf0: {  	v1 =	vld [tilespmem:s20+$0xFFFFFDB0];
	[tilespmem:s18+$0xFFFFFCB0] =	vst v4  }
0xf1: {  	v2 =	vld [tilespmem:s20+$0xFFFFFE30];
	[tilespmem:s18+$0xFFFFFFB0] =	vst v5  }
0xf2: {  	v3 =	vld [tilespmem:s20+$0xFFFFFEB0];
	[tilespmem:s18+$0x30] =	vst v6  }
0xf3: {  	v4 =	vld [tilespmem:s20+$0xFFFFFF30];
	[tilespmem:s18+$0xB0] =	vst v7  }
0xf4: {  	[tilespmem:s18+$0xFFFFFD30] =	vst v0;
	v0 =	vld [tilespmem:s20+$0x130]  }
0xf5: {  	[tilespmem:s18+$0xFFFFFDB0] =	vst v1;
	v1 =	vld [tilespmem:s20+$0x1B0]  }
0xf6: {  	[tilespmem:s18+$0xFFFFFE30] =	vst v2;
	v2 =	vld [tilespmem:s20+$0x230]  }
0xf7: {  	[tilespmem:s18+$0xFFFFFEB0] =	vst v3;
	v3 =	vld [tilespmem:s20+$0x2B0]  }
0xf8: {  	s19 =	simm.s32 $0x0;
	[tilespmem:s18+$0xFFFFFF30] =	vst v4;
	v4 =	vld [tilespmem:s20+$0x330];
	s20 =	simm.s32 $0x4C00  }
.LBB2_4:
0xf9: {  	v5 =	vld [tilespmem:s20+$0x380];
	s19 =	sadd.s32 $0x10, s19;
	[tilespmem:s18+$0x130] =	vst v0  }
0xfa: {  	v0 =	vld [tilespmem:s20+$0xFFFFFC80];
	p0 =	slt.u32 s19, $0x70;
	[tilespmem:s18+$0x1B0] =	vst v1  }
0xfb: {  	v1 =	vld [tilespmem:s20+$0xFFFFFD00];
	[tilespmem:s18+$0x230] =	vst v2  }
0xfc: {  	v2 =	vld [tilespmem:s20+$0xFFFFFD80];
	[tilespmem:s18+$0x2B0] =	vst v3  }
0xfd: {  	v3 =	vld [tilespmem:s20+$0xFFFFFE00];
	[tilespmem:s18+$0x330] =	vst v4;
	s18 =	sadd.s32 $0x800, s18  }
0xfe: {  	v4 =	vld [tilespmem:s20+$0xFFFFFE80];
	[tilespmem:s18+$0x380] =	vst v5  }
0xff: {  	[tilespmem:s18+$0xFFFFFC80] =	vst v0;
	v0 =	vld [tilespmem:s20+$0x390]  }
0x100: {  	[tilespmem:s18+$0xFFFFFD00] =	vst v1;
	v1 =	vld [tilespmem:s20+$0xFFFFFF00]  }
0x101: {  	[tilespmem:s18+$0xFFFFFD80] =	vst v2;
	v2 =	vld [tilespmem:s20+$0xFFFFFF80]  }
0x102: {  	[tilespmem:s18+$0xFFFFFE00] =	vst v3;
	v3 =	vld [tilespmem:s20+$0x0]  }
0x103: {  	[tilespmem:s18+$0xFFFFFE80] =	vst v4;
	v4 =	vld [tilespmem:s20+$0x80]  }
0x104: {  	v5 =	vld [tilespmem:s20+$0x100];
	[tilespmem:s18+$0x390] =	vst v0  }
0x105: {  	[tilespmem:s18+$0xFFFFFF00] =	vst v1;
	v0 =	vld [tilespmem:s20+$0x3A0]  }
0x106: {  	[tilespmem:s18+$0xFFFFFF80] =	vst v2;
	v1 =	vld [tilespmem:s20+$0x180]  }
0x107: {  	[tilespmem:s18+$0x0] =	vst v3;
	v2 =	vld [tilespmem:s20+$0x200]  }
0x108: {  	[tilespmem:s18+$0x80] =	vst v4;
	v3 =	vld [tilespmem:s20+$0x280]  }
0x109: {  	[tilespmem:s18+$0x100] =	vst v5;
	v4 =	vld [tilespmem:s20+$0x300]  }
0x10a: {  	v5 =	vld [tilespmem:s20+$0xFFFFFC00];
	[tilespmem:s18+$0x3A0] =	vst v0  }
0x10b: {  	[tilespmem:s18+$0x180] =	vst v1;
	v0 =	vld [tilespmem:s20+$0x3B0]  }
0x10c: {  	v1 =	vld [tilespmem:s20+$0xFFFFFC90];
	[tilespmem:s18+$0x200] =	vst v2  }
0x10d: {  	v2 =	vld [tilespmem:s20+$0xFFFFFD10];
	[tilespmem:s18+$0x280] =	vst v3  }
0x10e: {  	v3 =	vld [tilespmem:s20+$0xFFFFFD90];
	[tilespmem:s18+$0x300] =	vst v4  }
0x10f: {  	[tilespmem:s18+$0xFFFFFC00] =	vst v5;
	v4 =	vld [tilespmem:s20+$0xFFFFFE10]  }
0x110: {  	v5 =	vld [tilespmem:s20+$0xFFFFFC10];
	[tilespmem:s18+$0x3B0] =	vst v0  }
0x111: {  	[tilespmem:s18+$0xFFFFFC90] =	vst v1;
	v0 =	vld [tilespmem:s20+$0xFFFFFE90]  }
0x112: {  	[tilespmem:s18+$0xFFFFFD10] =	vst v2;
	v1 =	vld [tilespmem:s20+$0xFFFFFF10]  }
0x113: {  	[tilespmem:s18+$0xFFFFFD90] =	vst v3;
	v2 =	vld [tilespmem:s20+$0xFFFFFF90]  }
0x114: {  	[tilespmem:s18+$0xFFFFFE10] =	vst v4;
	v3 =	vld [tilespmem:s20+$0x10]  }
0x115: {  	[tilespmem:s18+$0xFFFFFC10] =	vst v5;
	v4 =	vld [tilespmem:s20+$0x90]  }
0x116: {  	[tilespmem:s18+$0xFFFFFE90] =	vst v0;
	v0 =	vld [tilespmem:s20+$0x110]  }
0x117: {  	[tilespmem:s18+$0xFFFFFF10] =	vst v1;
	v1 =	vld [tilespmem:s20+$0x190]  }
0x118: {  	[tilespmem:s18+$0xFFFFFF90] =	vst v2;
	v2 =	vld [tilespmem:s20+$0x210]  }
0x119: {  	[tilespmem:s18+$0x10] =	vst v3;
	v3 =	vld [tilespmem:s20+$0x290]  }
0x11a: {  	[tilespmem:s18+$0x90] =	vst v4;
	v4 =	vld [tilespmem:s20+$0x310]  }
0x11b: {  	v5 =	vld [tilespmem:s20+$0xFFFFFC20];
	[tilespmem:s18+$0x110] =	vst v0  }
0x11c: {  	v0 =	vld [tilespmem:s20+$0xFFFFFCA0];
	[tilespmem:s18+$0x190] =	vst v1  }
0x11d: {  	v1 =	vld [tilespmem:s20+$0xFFFFFD20];
	[tilespmem:s18+$0x210] =	vst v2  }
0x11e: {  	v2 =	vld [tilespmem:s20+$0xFFFFFDA0];
	[tilespmem:s18+$0x290] =	vst v3  }
0x11f: {  	v3 =	vld [tilespmem:s20+$0xFFFFFE20];
	[tilespmem:s18+$0x310] =	vst v4  }
0x120: {  	[tilespmem:s18+$0xFFFFFC20] =	vst v5;
	v4 =	vld [tilespmem:s20+$0xFFFFFEA0]  }
0x121: {  	[tilespmem:s18+$0xFFFFFCA0] =	vst v0;
	v0 =	vld [tilespmem:s20+$0xFFFFFF20]  }
0x122: {  	[tilespmem:s18+$0xFFFFFD20] =	vst v1;
	v1 =	vld [tilespmem:s20+$0xFFFFFFA0]  }
0x123: {  	[tilespmem:s18+$0xFFFFFDA0] =	vst v2;
	v2 =	vld [tilespmem:s20+$0x20]  }
0x124: {  	[tilespmem:s18+$0xFFFFFE20] =	vst v3;
	v3 =	vld [tilespmem:s20+$0xA0]  }
0x125: {  	[tilespmem:s18+$0xFFFFFEA0] =	vst v4;
	v4 =	vld [tilespmem:s20+$0x120]  }
0x126: {  	[tilespmem:s18+$0xFFFFFF20] =	vst v0;
	v0 =	vld [tilespmem:s20+$0x1A0]  }
0x127: {  	[tilespmem:s18+$0xFFFFFFA0] =	vst v1;
	v1 =	vld [tilespmem:s20+$0x220]  }
0x128: {  	[tilespmem:s18+$0x20] =	vst v2;
	v2 =	vld [tilespmem:s20+$0x2A0]  }
0x129: {  	[tilespmem:s18+$0xA0] =	vst v3;
	v3 =	vld [tilespmem:s20+$0x320]  }
0x12a: {  	v5 =	vld [tilespmem:s20+$0xFFFFFC30];
	[tilespmem:s18+$0x120] =	vst v4  }
0x12b: {  	v4 =	vld [tilespmem:s20+$0xFFFFFCB0];
	[tilespmem:s18+$0x1A0] =	vst v0  }
0x12c: {  	v0 =	vld [tilespmem:s20+$0xFFFFFD30];
	[tilespmem:s18+$0x220] =	vst v1  }
0x12d: {  	v1 =	vld [tilespmem:s20+$0xFFFFFDB0];
	[tilespmem:s18+$0x2A0] =	vst v2  }
0x12e: {  	v2 =	vld [tilespmem:s20+$0xFFFFFE30];
	[tilespmem:s18+$0x320] =	vst v3  }
0x12f: {  	[tilespmem:s18+$0xFFFFFC30] =	vst v5;
	v3 =	vld [tilespmem:s20+$0xFFFFFEB0]  }
0x130: {  	[tilespmem:s18+$0xFFFFFCB0] =	vst v4;
	v4 =	vld [tilespmem:s20+$0xFFFFFF30]  }
0x131: {  	[tilespmem:s18+$0xFFFFFD30] =	vst v0;
	v5 =	vld [tilespmem:s20+$0xFFFFFFB0]  }
0x132: {  	[tilespmem:s18+$0xFFFFFDB0] =	vst v1;
	v6 =	vld [tilespmem:s20+$0x30]  }
0x133: {  	[tilespmem:s18+$0xFFFFFE30] =	vst v2;
	v7 =	vld [tilespmem:s20+$0xB0]  }
.Ltmp1:
0x134: {  	[tilespmem:s18+$0xFFFFFEB0] =	vst v3;
	v0 =	vld [tilespmem:s20+$0x130];
	(pc) =	sbr.rel @p0 .LBB2_4-.Ltmp1, $4  }
0x135: {  	[tilespmem:s18+$0xFFFFFF30] =	vst v4;
	v1 =	vld [tilespmem:s20+$0x1B0]  }
0x136: {  	[tilespmem:s18+$0xFFFFFFB0] =	vst v5;
	v2 =	vld [tilespmem:s20+$0x230]  }
0x137: {  	[tilespmem:s18+$0x30] =	vst v6;
	v3 =	vld [tilespmem:s20+$0x2B0]  }
0x138: {  	[tilespmem:s18+$0xB0] =	vst v7;
	v4 =	vld [tilespmem:s20+$0x330];
	s20 =	sadd.s32 $0x800, s20  }
0x139: {  	[tilespmem:s18+$0x130] =	vst v0  }
0x13a: {  	[tilespmem:s18+$0x1B0] =	vst v1  }
0x13b: {  	[tilespmem:s18+$0x230] =	vst v2  }
0x13c: {  	[tilespmem:s18+$0x2B0] =	vst v3  }
0x13d: {  	[tilespmem:s18+$0x330] =	vst v4  }
0x13e: {  	_ =	swait.ge [sflag:s30], $0x80  }
0x13f: {  	[sflag:s30] =	ssyncset.done $0x0  }
0x140: {  	[sflag:s30] =	ssyncadd.s32 $0xFFFFFF80  }
0x141: {  	[tilespmem:s31], [sflag:$0x2] =	stream.indirect.gather [hbm4b:s2+s29], $0x80, s26, s29, $0xb8;
	[tilespmem:$0x18200] =	vst v63  }
0x142: {  	s18 =	simm.s32 $0x0;
	s19 =	rddreg [dreg:$0xc]  }
0x143: {  	[hbm4b:s19+s18] =	stream.linear.scatter [tilespmem:s5], [sflag:$0x4], $0x4000, $0x38;
	[tilespmem:$0x18200] =	vst v63  }
.LBB2_6:
0x144: {  	s18 =	sadd.s32 $0x1, s18  }
0x145: {  	s19 =	sshll.u32 s18, $0x8  }
0x146: {  	_ =	swait.ge [sflag:s1], $0x4000;
	s20 =	sadd.s32 s19, s16  }
0x147: {  	[sflag:s1] =	ssyncset.done $0x0;
	s20 =	sshrl.u32 s20, $0x3  }
0x148: {  	[sflag:s1] =	ssyncadd.s32 $0xFFFFC000;
	s20 =	sadd.s32 s0, s20  }
0x149: {  	[tilespmem:s25], [sflag:$0x5] =	stream.linear.gather [hbm4b:s20+s6], $0x80, $0x38;
	[tilespmem:$0x18200] =	vst v63  }
0x14a: {  	_ =	swait.ge [sflag:s10], $0x4000  }
0x14b: {  	[sflag:s10] =	ssyncset.done $0x0  }
0x14c: {  	s22 =	simm.s32 $0x400;
	[sflag:s10] =	ssyncadd.s32 $0xFFFFC000  }
0x14d: {  	v0 =	vld [tilespmem:s22+$0x380]  }
0x14e: {  	v1 =	vld [tilespmem:s22+$0xFFFFFC80]  }
0x14f: {  	v2 =	vld [tilespmem:s22+$0xFFFFFD00]  }
0x150: {  	v3 =	vld [tilespmem:s22+$0xFFFFFD80]  }
0x151: {  	s20 =	simm.s32 $0x8400;
	v4 =	vld [tilespmem:s22+$0xFFFFFE00]  }
0x152: {  	v5 =	vld [tilespmem:s22+$0xFFFFFE80];
	[tilespmem:s20+$0x380] =	vst v0  }
0x153: {  	[tilespmem:s20+$0xFFFFFC80] =	vst v1;
	v1 =	vld [tilespmem:s22+$0xFFFFFF00]  }
0x154: {  	[tilespmem:s20+$0xFFFFFD00] =	vst v2;
	v2 =	vld [tilespmem:s22+$0xFFFFFF80]  }
0x155: {  	[tilespmem:s20+$0xFFFFFD80] =	vst v3;
	v3 =	vld [tilespmem:s22+$0x0]  }
0x156: {  	[tilespmem:s20+$0xFFFFFE00] =	vst v4;
	v4 =	vld [tilespmem:s22+$0x80]  }
0x157: {  	[tilespmem:s20+$0xFFFFFE80] =	vst v5;
	v5 =	vld [tilespmem:s22+$0x100]  }
0x158: {  	v0 =	vld [tilespmem:s22+$0x390];
	[tilespmem:s20+$0xFFFFFF00] =	vst v1  }
0x159: {  	[tilespmem:s20+$0xFFFFFF80] =	vst v2;
	v1 =	vld [tilespmem:s22+$0x180]  }
0x15a: {  	[tilespmem:s20+$0x0] =	vst v3;
	v2 =	vld [tilespmem:s22+$0x200]  }
0x15b: {  	[tilespmem:s20+$0x80] =	vst v4;
	v3 =	vld [tilespmem:s22+$0x280]  }
0x15c: {  	[tilespmem:s20+$0x100] =	vst v5;
	v4 =	vld [tilespmem:s22+$0x300]  }
0x15d: {  	v5 =	vld [tilespmem:s22+$0xFFFFFC00];
	[tilespmem:s20+$0x390] =	vst v0  }
0x15e: {  	v0 =	vld [tilespmem:s22+$0x3A0];
	[tilespmem:s20+$0x180] =	vst v1  }
0x15f: {  	v1 =	vld [tilespmem:s22+$0xFFFFFC90];
	[tilespmem:s20+$0x200] =	vst v2  }
0x160: {  	v2 =	vld [tilespmem:s22+$0xFFFFFD10];
	[tilespmem:s20+$0x280] =	vst v3  }
0x161: {  	v3 =	vld [tilespmem:s22+$0xFFFFFD90];
	[tilespmem:s20+$0x300] =	vst v4  }
0x162: {  	[tilespmem:s20+$0xFFFFFC00] =	vst v5;
	v4 =	vld [tilespmem:s22+$0xFFFFFE10]  }
0x163: {  	v5 =	vld [tilespmem:s22+$0xFFFFFC10];
	[tilespmem:s20+$0x3A0] =	vst v0  }
0x164: {  	v0 =	vld [tilespmem:s22+$0x3B0];
	[tilespmem:s20+$0xFFFFFC90] =	vst v1  }
0x165: {  	[tilespmem:s20+$0xFFFFFD10] =	vst v2;
	v1 =	vld [tilespmem:s22+$0xFFFFFF10]  }
0x166: {  	[tilespmem:s20+$0xFFFFFD90] =	vst v3;
	v2 =	vld [tilespmem:s22+$0xFFFFFF90]  }
0x167: {  	[tilespmem:s20+$0xFFFFFE10] =	vst v4;
	v3 =	vld [tilespmem:s22+$0x10]  }
0x168: {  	v4 =	vld [tilespmem:s22+$0x90];
	[tilespmem:s20+$0xFFFFFC10] =	vst v5  }
0x169: {  	v5 =	vld [tilespmem:s22+$0xFFFFFC20];
	[tilespmem:s20+$0x3B0] =	vst v0  }
0x16a: {  	v0 =	vld [tilespmem:s22+$0xFFFFFE90];
	[tilespmem:s20+$0xFFFFFF10] =	vst v1  }
0x16b: {  	v1 =	vld [tilespmem:s22+$0x190];
	[tilespmem:s20+$0xFFFFFF90] =	vst v2  }
0x16c: {  	v2 =	vld [tilespmem:s22+$0x210];
	[tilespmem:s20+$0x10] =	vst v3  }
0x16d: {  	v3 =	vld [tilespmem:s22+$0x290];
	[tilespmem:s20+$0x90] =	vst v4  }
0x16e: {  	v4 =	vld [tilespmem:s22+$0x310];
	[tilespmem:s20+$0xFFFFFC20] =	vst v5  }
0x16f: {  	[tilespmem:s20+$0xFFFFFE90] =	vst v0;
	v0 =	vld [tilespmem:s22+$0x110]  }
0x170: {  	v5 =	vld [tilespmem:s22+$0xFFFFFC30];
	[tilespmem:s20+$0x190] =	vst v1  }
0x171: {  	v1 =	vld [tilespmem:s22+$0xFFFFFD20];
	[tilespmem:s20+$0x210] =	vst v2  }
0x172: {  	v2 =	vld [tilespmem:s22+$0xFFFFFDA0];
	[tilespmem:s20+$0x290] =	vst v3  }
0x173: {  	v3 =	vld [tilespmem:s22+$0xFFFFFE20];
	[tilespmem:s20+$0x310] =	vst v4  }
0x174: {  	[tilespmem:s20+$0x110] =	vst v0;
	v0 =	vld [tilespmem:s22+$0xFFFFFCA0]  }
0x175: {  	v4 =	vld [tilespmem:s22+$0xFFFFFEA0];
	[tilespmem:s20+$0xFFFFFC30] =	vst v5  }
0x176: {  	[tilespmem:s20+$0xFFFFFD20] =	vst v1;
	v1 =	vld [tilespmem:s22+$0xFFFFFFA0]  }
0x177: {  	[tilespmem:s20+$0xFFFFFDA0] =	vst v2;
	v2 =	vld [tilespmem:s22+$0x20]  }
0x178: {  	[tilespmem:s20+$0xFFFFFE20] =	vst v3;
	v3 =	vld [tilespmem:s22+$0xA0]  }
0x179: {  	[tilespmem:s20+$0xFFFFFCA0] =	vst v0;
	v0 =	vld [tilespmem:s22+$0xFFFFFF20]  }
0x17a: {  	[tilespmem:s20+$0xFFFFFEA0] =	vst v4;
	v4 =	vld [tilespmem:s22+$0x120]  }
0x17b: {  	[tilespmem:s20+$0xFFFFFFA0] =	vst v1;
	v1 =	vld [tilespmem:s22+$0x220]  }
0x17c: {  	[tilespmem:s20+$0x20] =	vst v2;
	v2 =	vld [tilespmem:s22+$0x2A0]  }
0x17d: {  	[tilespmem:s20+$0xA0] =	vst v3;
	v3 =	vld [tilespmem:s22+$0x320]  }
0x17e: {  	[tilespmem:s20+$0xFFFFFF20] =	vst v0;
	v0 =	vld [tilespmem:s22+$0x1A0]  }
0x17f: {  	[tilespmem:s20+$0x120] =	vst v4;
	v4 =	vld [tilespmem:s22+$0xFFFFFCB0]  }
0x180: {  	v5 =	vld [tilespmem:s22+$0xFFFFFFB0];
	[tilespmem:s20+$0x220] =	vst v1  }
0x181: {  	v6 =	vld [tilespmem:s22+$0x30];
	[tilespmem:s20+$0x2A0] =	vst v2  }
0x182: {  	v7 =	vld [tilespmem:s22+$0xB0];
	[tilespmem:s20+$0x320] =	vst v3  }
0x183: {  	[tilespmem:s20+$0x1A0] =	vst v0;
	v0 =	vld [tilespmem:s22+$0xFFFFFD30]  }
0x184: {  	v1 =	vld [tilespmem:s22+$0xFFFFFDB0];
	[tilespmem:s20+$0xFFFFFCB0] =	vst v4  }
0x185: {  	v2 =	vld [tilespmem:s22+$0xFFFFFE30];
	[tilespmem:s20+$0xFFFFFFB0] =	vst v5  }
0x186: {  	v3 =	vld [tilespmem:s22+$0xFFFFFEB0];
	[tilespmem:s20+$0x30] =	vst v6  }
0x187: {  	v4 =	vld [tilespmem:s22+$0xFFFFFF30];
	[tilespmem:s20+$0xB0] =	vst v7  }
0x188: {  	[tilespmem:s20+$0xFFFFFD30] =	vst v0;
	v0 =	vld [tilespmem:s22+$0x130]  }
0x189: {  	[tilespmem:s20+$0xFFFFFDB0] =	vst v1;
	v1 =	vld [tilespmem:s22+$0x1B0]  }
0x18a: {  	[tilespmem:s20+$0xFFFFFE30] =	vst v2;
	v2 =	vld [tilespmem:s22+$0x230]  }
0x18b: {  	[tilespmem:s20+$0xFFFFFEB0] =	vst v3;
	v3 =	vld [tilespmem:s22+$0x2B0]  }
0x18c: {  	s21 =	simm.s32 $0x0;
	[tilespmem:s20+$0xFFFFFF30] =	vst v4;
	v4 =	vld [tilespmem:s22+$0x330];
	s22 =	simm.s32 $0xC00  }
.LBB2_7:
0x18d: {  	v5 =	vld [tilespmem:s22+$0x380];
	s21 =	sadd.s32 $0x10, s21;
	[tilespmem:s20+$0x130] =	vst v0  }
0x18e: {  	v0 =	vld [tilespmem:s22+$0xFFFFFC80];
	p0 =	slt.u32 s21, $0x70;
	[tilespmem:s20+$0x1B0] =	vst v1  }
0x18f: {  	v1 =	vld [tilespmem:s22+$0xFFFFFD00];
	[tilespmem:s20+$0x230] =	vst v2  }
0x190: {  	v2 =	vld [tilespmem:s22+$0xFFFFFD80];
	[tilespmem:s20+$0x2B0] =	vst v3  }
0x191: {  	v3 =	vld [tilespmem:s22+$0xFFFFFE00];
	[tilespmem:s20+$0x330] =	vst v4;
	s20 =	sadd.s32 $0x800, s20  }
0x192: {  	v4 =	vld [tilespmem:s22+$0xFFFFFE80];
	[tilespmem:s20+$0x380] =	vst v5  }
0x193: {  	[tilespmem:s20+$0xFFFFFC80] =	vst v0;
	v0 =	vld [tilespmem:s22+$0x390]  }
0x194: {  	[tilespmem:s20+$0xFFFFFD00] =	vst v1;
	v1 =	vld [tilespmem:s22+$0xFFFFFF00]  }
0x195: {  	[tilespmem:s20+$0xFFFFFD80] =	vst v2;
	v2 =	vld [tilespmem:s22+$0xFFFFFF80]  }
0x196: {  	[tilespmem:s20+$0xFFFFFE00] =	vst v3;
	v3 =	vld [tilespmem:s22+$0x0]  }
0x197: {  	[tilespmem:s20+$0xFFFFFE80] =	vst v4;
	v4 =	vld [tilespmem:s22+$0x80]  }
0x198: {  	v5 =	vld [tilespmem:s22+$0x100];
	[tilespmem:s20+$0x390] =	vst v0  }
0x199: {  	[tilespmem:s20+$0xFFFFFF00] =	vst v1;
	v0 =	vld [tilespmem:s22+$0x3A0]  }
0x19a: {  	[tilespmem:s20+$0xFFFFFF80] =	vst v2;
	v1 =	vld [tilespmem:s22+$0x180]  }
0x19b: {  	[tilespmem:s20+$0x0] =	vst v3;
	v2 =	vld [tilespmem:s22+$0x200]  }
0x19c: {  	[tilespmem:s20+$0x80] =	vst v4;
	v3 =	vld [tilespmem:s22+$0x280]  }
0x19d: {  	[tilespmem:s20+$0x100] =	vst v5;
	v4 =	vld [tilespmem:s22+$0x300]  }
0x19e: {  	v5 =	vld [tilespmem:s22+$0xFFFFFC00];
	[tilespmem:s20+$0x3A0] =	vst v0  }
0x19f: {  	[tilespmem:s20+$0x180] =	vst v1;
	v0 =	vld [tilespmem:s22+$0x3B0]  }
0x1a0: {  	v1 =	vld [tilespmem:s22+$0xFFFFFC90];
	[tilespmem:s20+$0x200] =	vst v2  }
0x1a1: {  	v2 =	vld [tilespmem:s22+$0xFFFFFD10];
	[tilespmem:s20+$0x280] =	vst v3  }
0x1a2: {  	v3 =	vld [tilespmem:s22+$0xFFFFFD90];
	[tilespmem:s20+$0x300] =	vst v4  }
0x1a3: {  	[tilespmem:s20+$0xFFFFFC00] =	vst v5;
	v4 =	vld [tilespmem:s22+$0xFFFFFE10]  }
0x1a4: {  	v5 =	vld [tilespmem:s22+$0xFFFFFC10];
	[tilespmem:s20+$0x3B0] =	vst v0  }
0x1a5: {  	[tilespmem:s20+$0xFFFFFC90] =	vst v1;
	v0 =	vld [tilespmem:s22+$0xFFFFFE90]  }
0x1a6: {  	[tilespmem:s20+$0xFFFFFD10] =	vst v2;
	v1 =	vld [tilespmem:s22+$0xFFFFFF10]  }
0x1a7: {  	[tilespmem:s20+$0xFFFFFD90] =	vst v3;
	v2 =	vld [tilespmem:s22+$0xFFFFFF90]  }
0x1a8: {  	[tilespmem:s20+$0xFFFFFE10] =	vst v4;
	v3 =	vld [tilespmem:s22+$0x10]  }
0x1a9: {  	[tilespmem:s20+$0xFFFFFC10] =	vst v5;
	v4 =	vld [tilespmem:s22+$0x90]  }
0x1aa: {  	[tilespmem:s20+$0xFFFFFE90] =	vst v0;
	v0 =	vld [tilespmem:s22+$0x110]  }
0x1ab: {  	[tilespmem:s20+$0xFFFFFF10] =	vst v1;
	v1 =	vld [tilespmem:s22+$0x190]  }
0x1ac: {  	[tilespmem:s20+$0xFFFFFF90] =	vst v2;
	v2 =	vld [tilespmem:s22+$0x210]  }
0x1ad: {  	[tilespmem:s20+$0x10] =	vst v3;
	v3 =	vld [tilespmem:s22+$0x290]  }
0x1ae: {  	[tilespmem:s20+$0x90] =	vst v4;
	v4 =	vld [tilespmem:s22+$0x310]  }
0x1af: {  	v5 =	vld [tilespmem:s22+$0xFFFFFC20];
	[tilespmem:s20+$0x110] =	vst v0  }
0x1b0: {  	v0 =	vld [tilespmem:s22+$0xFFFFFCA0];
	[tilespmem:s20+$0x190] =	vst v1  }
0x1b1: {  	v1 =	vld [tilespmem:s22+$0xFFFFFD20];
	[tilespmem:s20+$0x210] =	vst v2  }
0x1b2: {  	v2 =	vld [tilespmem:s22+$0xFFFFFDA0];
	[tilespmem:s20+$0x290] =	vst v3  }
0x1b3: {  	v3 =	vld [tilespmem:s22+$0xFFFFFE20];
	[tilespmem:s20+$0x310] =	vst v4  }
0x1b4: {  	[tilespmem:s20+$0xFFFFFC20] =	vst v5;
	v4 =	vld [tilespmem:s22+$0xFFFFFEA0]  }
0x1b5: {  	[tilespmem:s20+$0xFFFFFCA0] =	vst v0;
	v0 =	vld [tilespmem:s22+$0xFFFFFF20]  }
0x1b6: {  	[tilespmem:s20+$0xFFFFFD20] =	vst v1;
	v1 =	vld [tilespmem:s22+$0xFFFFFFA0]  }
0x1b7: {  	[tilespmem:s20+$0xFFFFFDA0] =	vst v2;
	v2 =	vld [tilespmem:s22+$0x20]  }
0x1b8: {  	[tilespmem:s20+$0xFFFFFE20] =	vst v3;
	v3 =	vld [tilespmem:s22+$0xA0]  }
0x1b9: {  	[tilespmem:s20+$0xFFFFFEA0] =	vst v4;
	v4 =	vld [tilespmem:s22+$0x120]  }
0x1ba: {  	[tilespmem:s20+$0xFFFFFF20] =	vst v0;
	v0 =	vld [tilespmem:s22+$0x1A0]  }
0x1bb: {  	[tilespmem:s20+$0xFFFFFFA0] =	vst v1;
	v1 =	vld [tilespmem:s22+$0x220]  }
0x1bc: {  	[tilespmem:s20+$0x20] =	vst v2;
	v2 =	vld [tilespmem:s22+$0x2A0]  }
0x1bd: {  	[tilespmem:s20+$0xA0] =	vst v3;
	v3 =	vld [tilespmem:s22+$0x320]  }
0x1be: {  	v5 =	vld [tilespmem:s22+$0xFFFFFC30];
	[tilespmem:s20+$0x120] =	vst v4  }
0x1bf: {  	v4 =	vld [tilespmem:s22+$0xFFFFFCB0];
	[tilespmem:s20+$0x1A0] =	vst v0  }
0x1c0: {  	v0 =	vld [tilespmem:s22+$0xFFFFFD30];
	[tilespmem:s20+$0x220] =	vst v1  }
0x1c1: {  	v1 =	vld [tilespmem:s22+$0xFFFFFDB0];
	[tilespmem:s20+$0x2A0] =	vst v2  }
0x1c2: {  	v2 =	vld [tilespmem:s22+$0xFFFFFE30];
	[tilespmem:s20+$0x320] =	vst v3  }
0x1c3: {  	[tilespmem:s20+$0xFFFFFC30] =	vst v5;
	v3 =	vld [tilespmem:s22+$0xFFFFFEB0]  }
0x1c4: {  	[tilespmem:s20+$0xFFFFFCB0] =	vst v4;
	v4 =	vld [tilespmem:s22+$0xFFFFFF30]  }
0x1c5: {  	[tilespmem:s20+$0xFFFFFD30] =	vst v0;
	v5 =	vld [tilespmem:s22+$0xFFFFFFB0]  }
0x1c6: {  	[tilespmem:s20+$0xFFFFFDB0] =	vst v1;
	v6 =	vld [tilespmem:s22+$0x30]  }
0x1c7: {  	[tilespmem:s20+$0xFFFFFE30] =	vst v2;
	v7 =	vld [tilespmem:s22+$0xB0]  }
.Ltmp2:
0x1c8: {  	[tilespmem:s20+$0xFFFFFEB0] =	vst v3;
	v0 =	vld [tilespmem:s22+$0x130];
	(pc) =	sbr.rel @p0 .LBB2_7-.Ltmp2, $4  }
0x1c9: {  	[tilespmem:s20+$0xFFFFFF30] =	vst v4;
	v1 =	vld [tilespmem:s22+$0x1B0]  }
0x1ca: {  	[tilespmem:s20+$0xFFFFFFB0] =	vst v5;
	v2 =	vld [tilespmem:s22+$0x230]  }
0x1cb: {  	[tilespmem:s20+$0x30] =	vst v6;
	v3 =	vld [tilespmem:s22+$0x2B0]  }
0x1cc: {  	[tilespmem:s20+$0xB0] =	vst v7;
	v4 =	vld [tilespmem:s22+$0x330];
	s22 =	sadd.s32 $0x800, s22  }
0x1cd: {  	[tilespmem:s20+$0x130] =	vst v0  }
0x1ce: {  	[tilespmem:s20+$0x1B0] =	vst v1  }
0x1cf: {  	[tilespmem:s20+$0x230] =	vst v2  }
0x1d0: {  	[tilespmem:s20+$0x2B0] =	vst v3  }
0x1d1: {  	[tilespmem:s20+$0x330] =	vst v4  }
0x1d2: {  	s21 =	sshll.u32 s18, $0xF;
	_ =	swait.ge [sflag:s28], $0x80  }
0x1d3: {  	s20 =	sadd.s32 s11, s21;
	[sflag:s28] =	ssyncset.done $0x0  }
0x1d4: {  	s20 =	sshrl.u32 s20, $0x3;
	[sflag:s28] =	ssyncadd.s32 $0xFFFFFF80  }
0x1d5: {  	[tilespmem:s6], [sflag:$0x1] =	stream.indirect.gather [hbm4b:s2+s29], $0x80, s25, s29, $0xb8;
	[tilespmem:$0x18200] =	vst v63  }
0x1d6: {  	s20 =	sadd.s32 s7, s20  }
0x1d7: {  	[hbm4b:s20+s6] =	stream.linear.scatter [tilespmem:s4], [sflag:$0x3], $0x4000, $0x38;
	[tilespmem:$0x18200] =	vst v63  }
0x1d8: {  	s22 =	sadd.s32 s19, s17;
	_ =	swait.ge [sflag:s3], $0x4000  }
0x1d9: {  	s20 =	sshrl.u32 s22, $0x3;
	[sflag:s3] =	ssyncset.done $0x0  }
0x1da: {  	s20 =	sadd.s32 s0, s20;
	[sflag:s3] =	ssyncadd.s32 $0xFFFFC000  }
0x1db: {  	[tilespmem:s26], [sflag:$0x6] =	stream.linear.gather [hbm4b:s20+s6], $0x80, $0x38;
	[tilespmem:$0x18200] =	vst v63  }
0x1dc: {  	_ =	swait.ge [sflag:s12], $0x4000  }
0x1dd: {  	[sflag:s12] =	ssyncset.done $0x0  }
0x1de: {  	s22 =	simm.s32 $0x4400;
	[sflag:s12] =	ssyncadd.s32 $0xFFFFC000  }
0x1df: {  	v0 =	vld [tilespmem:s22+$0x380]  }
0x1e0: {  	v1 =	vld [tilespmem:s22+$0xFFFFFC80]  }
0x1e1: {  	v2 =	vld [tilespmem:s22+$0xFFFFFD00]  }
0x1e2: {  	v3 =	vld [tilespmem:s22+$0xFFFFFD80]  }
0x1e3: {  	s20 =	simm.s32 $0xC400;
	v4 =	vld [tilespmem:s22+$0xFFFFFE00]  }
0x1e4: {  	v5 =	vld [tilespmem:s22+$0xFFFFFE80];
	[tilespmem:s20+$0x380] =	vst v0  }
0x1e5: {  	[tilespmem:s20+$0xFFFFFC80] =	vst v1;
	v1 =	vld [tilespmem:s22+$0xFFFFFF00]  }
0x1e6: {  	[tilespmem:s20+$0xFFFFFD00] =	vst v2;
	v2 =	vld [tilespmem:s22+$0xFFFFFF80]  }
0x1e7: {  	[tilespmem:s20+$0xFFFFFD80] =	vst v3;
	v3 =	vld [tilespmem:s22+$0x0]  }
0x1e8: {  	[tilespmem:s20+$0xFFFFFE00] =	vst v4;
	v4 =	vld [tilespmem:s22+$0x80]  }
0x1e9: {  	[tilespmem:s20+$0xFFFFFE80] =	vst v5;
	v5 =	vld [tilespmem:s22+$0x100]  }
0x1ea: {  	v0 =	vld [tilespmem:s22+$0x390];
	[tilespmem:s20+$0xFFFFFF00] =	vst v1  }
0x1eb: {  	[tilespmem:s20+$0xFFFFFF80] =	vst v2;
	v1 =	vld [tilespmem:s22+$0x180]  }
0x1ec: {  	[tilespmem:s20+$0x0] =	vst v3;
	v2 =	vld [tilespmem:s22+$0x200]  }
0x1ed: {  	[tilespmem:s20+$0x80] =	vst v4;
	v3 =	vld [tilespmem:s22+$0x280]  }
0x1ee: {  	[tilespmem:s20+$0x100] =	vst v5;
	v4 =	vld [tilespmem:s22+$0x300]  }
0x1ef: {  	v5 =	vld [tilespmem:s22+$0xFFFFFC00];
	[tilespmem:s20+$0x390] =	vst v0  }
0x1f0: {  	v0 =	vld [tilespmem:s22+$0x3A0];
	[tilespmem:s20+$0x180] =	vst v1  }
0x1f1: {  	v1 =	vld [tilespmem:s22+$0xFFFFFC90];
	[tilespmem:s20+$0x200] =	vst v2  }
0x1f2: {  	v2 =	vld [tilespmem:s22+$0xFFFFFD10];
	[tilespmem:s20+$0x280] =	vst v3  }
0x1f3: {  	v3 =	vld [tilespmem:s22+$0xFFFFFD90];
	[tilespmem:s20+$0x300] =	vst v4  }
0x1f4: {  	[tilespmem:s20+$0xFFFFFC00] =	vst v5;
	v4 =	vld [tilespmem:s22+$0xFFFFFE10]  }
0x1f5: {  	v5 =	vld [tilespmem:s22+$0xFFFFFC10];
	[tilespmem:s20+$0x3A0] =	vst v0  }
0x1f6: {  	v0 =	vld [tilespmem:s22+$0x3B0];
	[tilespmem:s20+$0xFFFFFC90] =	vst v1  }
0x1f7: {  	[tilespmem:s20+$0xFFFFFD10] =	vst v2;
	v1 =	vld [tilespmem:s22+$0xFFFFFF10]  }
0x1f8: {  	[tilespmem:s20+$0xFFFFFD90] =	vst v3;
	v2 =	vld [tilespmem:s22+$0xFFFFFF90]  }
0x1f9: {  	[tilespmem:s20+$0xFFFFFE10] =	vst v4;
	v3 =	vld [tilespmem:s22+$0x10]  }
0x1fa: {  	v4 =	vld [tilespmem:s22+$0x90];
	[tilespmem:s20+$0xFFFFFC10] =	vst v5  }
0x1fb: {  	v5 =	vld [tilespmem:s22+$0xFFFFFC20];
	[tilespmem:s20+$0x3B0] =	vst v0  }
0x1fc: {  	v0 =	vld [tilespmem:s22+$0xFFFFFE90];
	[tilespmem:s20+$0xFFFFFF10] =	vst v1  }
0x1fd: {  	v1 =	vld [tilespmem:s22+$0x190];
	[tilespmem:s20+$0xFFFFFF90] =	vst v2  }
0x1fe: {  	v2 =	vld [tilespmem:s22+$0x210];
	[tilespmem:s20+$0x10] =	vst v3  }
0x1ff: {  	v3 =	vld [tilespmem:s22+$0x290];
	[tilespmem:s20+$0x90] =	vst v4  }
0x200: {  	v4 =	vld [tilespmem:s22+$0x310];
	[tilespmem:s20+$0xFFFFFC20] =	vst v5  }
0x201: {  	[tilespmem:s20+$0xFFFFFE90] =	vst v0;
	v0 =	vld [tilespmem:s22+$0x110]  }
0x202: {  	v5 =	vld [tilespmem:s22+$0xFFFFFC30];
	[tilespmem:s20+$0x190] =	vst v1  }
0x203: {  	v1 =	vld [tilespmem:s22+$0xFFFFFD20];
	[tilespmem:s20+$0x210] =	vst v2  }
0x204: {  	v2 =	vld [tilespmem:s22+$0xFFFFFDA0];
	[tilespmem:s20+$0x290] =	vst v3  }
0x205: {  	v3 =	vld [tilespmem:s22+$0xFFFFFE20];
	[tilespmem:s20+$0x310] =	vst v4  }
0x206: {  	[tilespmem:s20+$0x110] =	vst v0;
	v0 =	vld [tilespmem:s22+$0xFFFFFCA0]  }
0x207: {  	v4 =	vld [tilespmem:s22+$0xFFFFFEA0];
	[tilespmem:s20+$0xFFFFFC30] =	vst v5  }
0x208: {  	[tilespmem:s20+$0xFFFFFD20] =	vst v1;
	v1 =	vld [tilespmem:s22+$0xFFFFFFA0]  }
0x209: {  	[tilespmem:s20+$0xFFFFFDA0] =	vst v2;
	v2 =	vld [tilespmem:s22+$0x20]  }
0x20a: {  	[tilespmem:s20+$0xFFFFFE20] =	vst v3;
	v3 =	vld [tilespmem:s22+$0xA0]  }
0x20b: {  	[tilespmem:s20+$0xFFFFFCA0] =	vst v0;
	v0 =	vld [tilespmem:s22+$0xFFFFFF20]  }
0x20c: {  	[tilespmem:s20+$0xFFFFFEA0] =	vst v4;
	v4 =	vld [tilespmem:s22+$0x120]  }
0x20d: {  	[tilespmem:s20+$0xFFFFFFA0] =	vst v1;
	v1 =	vld [tilespmem:s22+$0x220]  }
0x20e: {  	[tilespmem:s20+$0x20] =	vst v2;
	v2 =	vld [tilespmem:s22+$0x2A0]  }
0x20f: {  	[tilespmem:s20+$0xA0] =	vst v3;
	v3 =	vld [tilespmem:s22+$0x320]  }
0x210: {  	[tilespmem:s20+$0xFFFFFF20] =	vst v0;
	v0 =	vld [tilespmem:s22+$0x1A0]  }
0x211: {  	[tilespmem:s20+$0x120] =	vst v4;
	v4 =	vld [tilespmem:s22+$0xFFFFFCB0]  }
0x212: {  	v5 =	vld [tilespmem:s22+$0xFFFFFFB0];
	[tilespmem:s20+$0x220] =	vst v1  }
0x213: {  	v6 =	vld [tilespmem:s22+$0x30];
	[tilespmem:s20+$0x2A0] =	vst v2  }
0x214: {  	v7 =	vld [tilespmem:s22+$0xB0];
	[tilespmem:s20+$0x320] =	vst v3  }
0x215: {  	[tilespmem:s20+$0x1A0] =	vst v0;
	v0 =	vld [tilespmem:s22+$0xFFFFFD30]  }
0x216: {  	v1 =	vld [tilespmem:s22+$0xFFFFFDB0];
	[tilespmem:s20+$0xFFFFFCB0] =	vst v4  }
0x217: {  	v2 =	vld [tilespmem:s22+$0xFFFFFE30];
	[tilespmem:s20+$0xFFFFFFB0] =	vst v5  }
0x218: {  	v3 =	vld [tilespmem:s22+$0xFFFFFEB0];
	[tilespmem:s20+$0x30] =	vst v6  }
0x219: {  	v4 =	vld [tilespmem:s22+$0xFFFFFF30];
	[tilespmem:s20+$0xB0] =	vst v7  }
0x21a: {  	[tilespmem:s20+$0xFFFFFD30] =	vst v0;
	v0 =	vld [tilespmem:s22+$0x130]  }
0x21b: {  	[tilespmem:s20+$0xFFFFFDB0] =	vst v1;
	v1 =	vld [tilespmem:s22+$0x1B0]  }
0x21c: {  	[tilespmem:s20+$0xFFFFFE30] =	vst v2;
	v2 =	vld [tilespmem:s22+$0x230]  }
0x21d: {  	[tilespmem:s20+$0xFFFFFEB0] =	vst v3;
	v3 =	vld [tilespmem:s22+$0x2B0]  }
0x21e: {  	s21 =	simm.s32 $0x0;
	[tilespmem:s20+$0xFFFFFF30] =	vst v4;
	v4 =	vld [tilespmem:s22+$0x330];
	s22 =	simm.s32 $0x4C00  }
.LBB2_9:
0x21f: {  	v5 =	vld [tilespmem:s22+$0x380];
	s21 =	sadd.s32 $0x10, s21;
	[tilespmem:s20+$0x130] =	vst v0  }
0x220: {  	v0 =	vld [tilespmem:s22+$0xFFFFFC80];
	p0 =	slt.u32 s21, $0x70;
	[tilespmem:s20+$0x1B0] =	vst v1  }
0x221: {  	v1 =	vld [tilespmem:s22+$0xFFFFFD00];
	[tilespmem:s20+$0x230] =	vst v2  }
0x222: {  	v2 =	vld [tilespmem:s22+$0xFFFFFD80];
	[tilespmem:s20+$0x2B0] =	vst v3  }
0x223: {  	v3 =	vld [tilespmem:s22+$0xFFFFFE00];
	[tilespmem:s20+$0x330] =	vst v4;
	s20 =	sadd.s32 $0x800, s20  }
0x224: {  	v4 =	vld [tilespmem:s22+$0xFFFFFE80];
	[tilespmem:s20+$0x380] =	vst v5  }
0x225: {  	[tilespmem:s20+$0xFFFFFC80] =	vst v0;
	v0 =	vld [tilespmem:s22+$0x390]  }
0x226: {  	[tilespmem:s20+$0xFFFFFD00] =	vst v1;
	v1 =	vld [tilespmem:s22+$0xFFFFFF00]  }
0x227: {  	[tilespmem:s20+$0xFFFFFD80] =	vst v2;
	v2 =	vld [tilespmem:s22+$0xFFFFFF80]  }
0x228: {  	[tilespmem:s20+$0xFFFFFE00] =	vst v3;
	v3 =	vld [tilespmem:s22+$0x0]  }
0x229: {  	[tilespmem:s20+$0xFFFFFE80] =	vst v4;
	v4 =	vld [tilespmem:s22+$0x80]  }
0x22a: {  	v5 =	vld [tilespmem:s22+$0x100];
	[tilespmem:s20+$0x390] =	vst v0  }
0x22b: {  	[tilespmem:s20+$0xFFFFFF00] =	vst v1;
	v0 =	vld [tilespmem:s22+$0x3A0]  }
0x22c: {  	[tilespmem:s20+$0xFFFFFF80] =	vst v2;
	v1 =	vld [tilespmem:s22+$0x180]  }
0x22d: {  	[tilespmem:s20+$0x0] =	vst v3;
	v2 =	vld [tilespmem:s22+$0x200]  }
0x22e: {  	[tilespmem:s20+$0x80] =	vst v4;
	v3 =	vld [tilespmem:s22+$0x280]  }
0x22f: {  	[tilespmem:s20+$0x100] =	vst v5;
	v4 =	vld [tilespmem:s22+$0x300]  }
0x230: {  	v5 =	vld [tilespmem:s22+$0xFFFFFC00];
	[tilespmem:s20+$0x3A0] =	vst v0  }
0x231: {  	[tilespmem:s20+$0x180] =	vst v1;
	v0 =	vld [tilespmem:s22+$0x3B0]  }
0x232: {  	v1 =	vld [tilespmem:s22+$0xFFFFFC90];
	[tilespmem:s20+$0x200] =	vst v2  }
0x233: {  	v2 =	vld [tilespmem:s22+$0xFFFFFD10];
	[tilespmem:s20+$0x280] =	vst v3  }
0x234: {  	v3 =	vld [tilespmem:s22+$0xFFFFFD90];
	[tilespmem:s20+$0x300] =	vst v4  }
0x235: {  	[tilespmem:s20+$0xFFFFFC00] =	vst v5;
	v4 =	vld [tilespmem:s22+$0xFFFFFE10]  }
0x236: {  	v5 =	vld [tilespmem:s22+$0xFFFFFC10];
	[tilespmem:s20+$0x3B0] =	vst v0  }
0x237: {  	[tilespmem:s20+$0xFFFFFC90] =	vst v1;
	v0 =	vld [tilespmem:s22+$0xFFFFFE90]  }
0x238: {  	[tilespmem:s20+$0xFFFFFD10] =	vst v2;
	v1 =	vld [tilespmem:s22+$0xFFFFFF10]  }
0x239: {  	[tilespmem:s20+$0xFFFFFD90] =	vst v3;
	v2 =	vld [tilespmem:s22+$0xFFFFFF90]  }
0x23a: {  	[tilespmem:s20+$0xFFFFFE10] =	vst v4;
	v3 =	vld [tilespmem:s22+$0x10]  }
0x23b: {  	[tilespmem:s20+$0xFFFFFC10] =	vst v5;
	v4 =	vld [tilespmem:s22+$0x90]  }
0x23c: {  	[tilespmem:s20+$0xFFFFFE90] =	vst v0;
	v0 =	vld [tilespmem:s22+$0x110]  }
0x23d: {  	[tilespmem:s20+$0xFFFFFF10] =	vst v1;
	v1 =	vld [tilespmem:s22+$0x190]  }
0x23e: {  	[tilespmem:s20+$0xFFFFFF90] =	vst v2;
	v2 =	vld [tilespmem:s22+$0x210]  }
0x23f: {  	[tilespmem:s20+$0x10] =	vst v3;
	v3 =	vld [tilespmem:s22+$0x290]  }
0x240: {  	[tilespmem:s20+$0x90] =	vst v4;
	v4 =	vld [tilespmem:s22+$0x310]  }
0x241: {  	v5 =	vld [tilespmem:s22+$0xFFFFFC20];
	[tilespmem:s20+$0x110] =	vst v0  }
0x242: {  	v0 =	vld [tilespmem:s22+$0xFFFFFCA0];
	[tilespmem:s20+$0x190] =	vst v1  }
0x243: {  	v1 =	vld [tilespmem:s22+$0xFFFFFD20];
	[tilespmem:s20+$0x210] =	vst v2  }
0x244: {  	v2 =	vld [tilespmem:s22+$0xFFFFFDA0];
	[tilespmem:s20+$0x290] =	vst v3  }
0x245: {  	v3 =	vld [tilespmem:s22+$0xFFFFFE20];
	[tilespmem:s20+$0x310] =	vst v4  }
0x246: {  	[tilespmem:s20+$0xFFFFFC20] =	vst v5;
	v4 =	vld [tilespmem:s22+$0xFFFFFEA0]  }
0x247: {  	[tilespmem:s20+$0xFFFFFCA0] =	vst v0;
	v0 =	vld [tilespmem:s22+$0xFFFFFF20]  }
0x248: {  	[tilespmem:s20+$0xFFFFFD20] =	vst v1;
	v1 =	vld [tilespmem:s22+$0xFFFFFFA0]  }
0x249: {  	[tilespmem:s20+$0xFFFFFDA0] =	vst v2;
	v2 =	vld [tilespmem:s22+$0x20]  }
0x24a: {  	[tilespmem:s20+$0xFFFFFE20] =	vst v3;
	v3 =	vld [tilespmem:s22+$0xA0]  }
0x24b: {  	[tilespmem:s20+$0xFFFFFEA0] =	vst v4;
	v4 =	vld [tilespmem:s22+$0x120]  }
0x24c: {  	[tilespmem:s20+$0xFFFFFF20] =	vst v0;
	v0 =	vld [tilespmem:s22+$0x1A0]  }
0x24d: {  	[tilespmem:s20+$0xFFFFFFA0] =	vst v1;
	v1 =	vld [tilespmem:s22+$0x220]  }
0x24e: {  	[tilespmem:s20+$0x20] =	vst v2;
	v2 =	vld [tilespmem:s22+$0x2A0]  }
0x24f: {  	[tilespmem:s20+$0xA0] =	vst v3;
	v3 =	vld [tilespmem:s22+$0x320]  }
0x250: {  	v5 =	vld [tilespmem:s22+$0xFFFFFC30];
	[tilespmem:s20+$0x120] =	vst v4  }
0x251: {  	v4 =	vld [tilespmem:s22+$0xFFFFFCB0];
	[tilespmem:s20+$0x1A0] =	vst v0  }
0x252: {  	v0 =	vld [tilespmem:s22+$0xFFFFFD30];
	[tilespmem:s20+$0x220] =	vst v1  }
0x253: {  	v1 =	vld [tilespmem:s22+$0xFFFFFDB0];
	[tilespmem:s20+$0x2A0] =	vst v2  }
0x254: {  	v2 =	vld [tilespmem:s22+$0xFFFFFE30];
	[tilespmem:s20+$0x320] =	vst v3  }
0x255: {  	[tilespmem:s20+$0xFFFFFC30] =	vst v5;
	v3 =	vld [tilespmem:s22+$0xFFFFFEB0]  }
0x256: {  	[tilespmem:s20+$0xFFFFFCB0] =	vst v4;
	v4 =	vld [tilespmem:s22+$0xFFFFFF30]  }
0x257: {  	[tilespmem:s20+$0xFFFFFD30] =	vst v0;
	v5 =	vld [tilespmem:s22+$0xFFFFFFB0]  }
0x258: {  	[tilespmem:s20+$0xFFFFFDB0] =	vst v1;
	v6 =	vld [tilespmem:s22+$0x30]  }
0x259: {  	[tilespmem:s20+$0xFFFFFE30] =	vst v2;
	v7 =	vld [tilespmem:s22+$0xB0]  }
.Ltmp3:
0x25a: {  	[tilespmem:s20+$0xFFFFFEB0] =	vst v3;
	v0 =	vld [tilespmem:s22+$0x130];
	(pc) =	sbr.rel @p0 .LBB2_9-.Ltmp3, $4  }
0x25b: {  	[tilespmem:s20+$0xFFFFFF30] =	vst v4;
	v1 =	vld [tilespmem:s22+$0x1B0]  }
0x25c: {  	[tilespmem:s20+$0xFFFFFFB0] =	vst v5;
	v2 =	vld [tilespmem:s22+$0x230]  }
0x25d: {  	[tilespmem:s20+$0x30] =	vst v6;
	v3 =	vld [tilespmem:s22+$0x2B0]  }
0x25e: {  	[tilespmem:s20+$0xB0] =	vst v7;
	v4 =	vld [tilespmem:s22+$0x330];
	s22 =	sadd.s32 $0x800, s22  }
0x25f: {  	[tilespmem:s20+$0x130] =	vst v0  }
0x260: {  	[tilespmem:s20+$0x1B0] =	vst v1  }
0x261: {  	[tilespmem:s20+$0x230] =	vst v2  }
0x262: {  	[tilespmem:s20+$0x2B0] =	vst v3  }
0x263: {  	[tilespmem:s20+$0x330] =	vst v4  }
0x264: {  	p0 =	sne.s32 s18, $0x62;
	_ =	swait.ge [sflag:s30], $0x80  }
.Ltmp4:
0x265: {  	s19 =	sadd.s32 s19, s8;
	[sflag:s30] =	ssyncset.done $0x0;
	(pc) =	sbr.rel @p0 .LBB2_6-.Ltmp4, $4  }
0x266: {  	s19 =	sshll.u32 s19, $0x4;
	[sflag:s30] =	ssyncadd.s32 $0xFFFFFF80  }
0x267: {  	[tilespmem:s31], [sflag:$0x2] =	stream.indirect.gather [hbm4b:s2+s29], $0x80, s26, s29, $0xb8;
	[tilespmem:$0x18200] =	vst v63  }
0x268: {  	s19 =	sadd.s32 s7, s19  }
0x269: {  	[hbm4b:s19+s6] =	stream.linear.scatter [tilespmem:s5], [sflag:$0x4], $0x4000, $0x38;
	[tilespmem:$0x18200] =	vst v63  }
0x26a: {  	_ =	swait.ge [sflag:s1], $0x4000  }
0x26b: {  	[sflag:s1] =	ssyncset.done $0x0  }
0x26c: {  	[sflag:s1] =	ssyncadd.s32 $0xFFFFC000  }
0x26d: {  	_ =	swait.ge [sflag:s10], $0x4000  }
0x26e: {  	[sflag:s10] =	ssyncset.done $0x0  }
0x26f: {  	s20 =	simm.s32 $0x400;
	[sflag:s10] =	ssyncadd.s32 $0xFFFFC000  }
0x270: {  	v0 =	vld [tilespmem:s20+$0x380]  }
0x271: {  	v1 =	vld [tilespmem:s20+$0xFFFFFC80]  }
0x272: {  	v2 =	vld [tilespmem:s20+$0xFFFFFD00]  }
0x273: {  	v3 =	vld [tilespmem:s20+$0xFFFFFD80]  }
0x274: {  	s18 =	simm.s32 $0x8400;
	v4 =	vld [tilespmem:s20+$0xFFFFFE00]  }
0x275: {  	v5 =	vld [tilespmem:s20+$0xFFFFFE80];
	[tilespmem:s18+$0x380] =	vst v0  }
0x276: {  	[tilespmem:s18+$0xFFFFFC80] =	vst v1;
	v1 =	vld [tilespmem:s20+$0xFFFFFF00]  }
0x277: {  	[tilespmem:s18+$0xFFFFFD00] =	vst v2;
	v2 =	vld [tilespmem:s20+$0xFFFFFF80]  }
0x278: {  	[tilespmem:s18+$0xFFFFFD80] =	vst v3;
	v3 =	vld [tilespmem:s20+$0x0]  }
0x279: {  	[tilespmem:s18+$0xFFFFFE00] =	vst v4;
	v4 =	vld [tilespmem:s20+$0x80]  }
0x27a: {  	[tilespmem:s18+$0xFFFFFE80] =	vst v5;
	v5 =	vld [tilespmem:s20+$0x100]  }
0x27b: {  	v0 =	vld [tilespmem:s20+$0x390];
	[tilespmem:s18+$0xFFFFFF00] =	vst v1  }
0x27c: {  	[tilespmem:s18+$0xFFFFFF80] =	vst v2;
	v1 =	vld [tilespmem:s20+$0x180]  }
0x27d: {  	[tilespmem:s18+$0x0] =	vst v3;
	v2 =	vld [tilespmem:s20+$0x200]  }
0x27e: {  	[tilespmem:s18+$0x80] =	vst v4;
	v3 =	vld [tilespmem:s20+$0x280]  }
0x27f: {  	[tilespmem:s18+$0x100] =	vst v5;
	v4 =	vld [tilespmem:s20+$0x300]  }
0x280: {  	v5 =	vld [tilespmem:s20+$0xFFFFFC00];
	[tilespmem:s18+$0x390] =	vst v0  }
0x281: {  	v0 =	vld [tilespmem:s20+$0x3A0];
	[tilespmem:s18+$0x180] =	vst v1  }
0x282: {  	v1 =	vld [tilespmem:s20+$0xFFFFFC90];
	[tilespmem:s18+$0x200] =	vst v2  }
0x283: {  	v2 =	vld [tilespmem:s20+$0xFFFFFD10];
	[tilespmem:s18+$0x280] =	vst v3  }
0x284: {  	v3 =	vld [tilespmem:s20+$0xFFFFFD90];
	[tilespmem:s18+$0x300] =	vst v4  }
0x285: {  	[tilespmem:s18+$0xFFFFFC00] =	vst v5;
	v4 =	vld [tilespmem:s20+$0xFFFFFE10]  }
0x286: {  	v5 =	vld [tilespmem:s20+$0xFFFFFC10];
	[tilespmem:s18+$0x3A0] =	vst v0  }
0x287: {  	v0 =	vld [tilespmem:s20+$0x3B0];
	[tilespmem:s18+$0xFFFFFC90] =	vst v1  }
0x288: {  	[tilespmem:s18+$0xFFFFFD10] =	vst v2;
	v1 =	vld [tilespmem:s20+$0xFFFFFF10]  }
0x289: {  	[tilespmem:s18+$0xFFFFFD90] =	vst v3;
	v2 =	vld [tilespmem:s20+$0xFFFFFF90]  }
0x28a: {  	[tilespmem:s18+$0xFFFFFE10] =	vst v4;
	v3 =	vld [tilespmem:s20+$0x10]  }
0x28b: {  	v4 =	vld [tilespmem:s20+$0x90];
	[tilespmem:s18+$0xFFFFFC10] =	vst v5  }
0x28c: {  	v5 =	vld [tilespmem:s20+$0xFFFFFC20];
	[tilespmem:s18+$0x3B0] =	vst v0  }
0x28d: {  	v0 =	vld [tilespmem:s20+$0xFFFFFE90];
	[tilespmem:s18+$0xFFFFFF10] =	vst v1  }
0x28e: {  	v1 =	vld [tilespmem:s20+$0x190];
	[tilespmem:s18+$0xFFFFFF90] =	vst v2  }
0x28f: {  	v2 =	vld [tilespmem:s20+$0x210];
	[tilespmem:s18+$0x10] =	vst v3  }
0x290: {  	v3 =	vld [tilespmem:s20+$0x290];
	[tilespmem:s18+$0x90] =	vst v4  }
0x291: {  	v4 =	vld [tilespmem:s20+$0x310];
	[tilespmem:s18+$0xFFFFFC20] =	vst v5  }
0x292: {  	[tilespmem:s18+$0xFFFFFE90] =	vst v0;
	v0 =	vld [tilespmem:s20+$0x110]  }
0x293: {  	v5 =	vld [tilespmem:s20+$0xFFFFFC30];
	[tilespmem:s18+$0x190] =	vst v1  }
0x294: {  	v1 =	vld [tilespmem:s20+$0xFFFFFD20];
	[tilespmem:s18+$0x210] =	vst v2  }
0x295: {  	v2 =	vld [tilespmem:s20+$0xFFFFFDA0];
	[tilespmem:s18+$0x290] =	vst v3  }
0x296: {  	v3 =	vld [tilespmem:s20+$0xFFFFFE20];
	[tilespmem:s18+$0x310] =	vst v4  }
0x297: {  	[tilespmem:s18+$0x110] =	vst v0;
	v0 =	vld [tilespmem:s20+$0xFFFFFCA0]  }
0x298: {  	v4 =	vld [tilespmem:s20+$0xFFFFFEA0];
	[tilespmem:s18+$0xFFFFFC30] =	vst v5  }
0x299: {  	[tilespmem:s18+$0xFFFFFD20] =	vst v1;
	v1 =	vld [tilespmem:s20+$0xFFFFFFA0]  }
0x29a: {  	[tilespmem:s18+$0xFFFFFDA0] =	vst v2;
	v2 =	vld [tilespmem:s20+$0x20]  }
0x29b: {  	[tilespmem:s18+$0xFFFFFE20] =	vst v3;
	v3 =	vld [tilespmem:s20+$0xA0]  }
0x29c: {  	[tilespmem:s18+$0xFFFFFCA0] =	vst v0;
	v0 =	vld [tilespmem:s20+$0xFFFFFF20]  }
0x29d: {  	[tilespmem:s18+$0xFFFFFEA0] =	vst v4;
	v4 =	vld [tilespmem:s20+$0x120]  }
0x29e: {  	[tilespmem:s18+$0xFFFFFFA0] =	vst v1;
	v1 =	vld [tilespmem:s20+$0x220]  }
0x29f: {  	[tilespmem:s18+$0x20] =	vst v2;
	v2 =	vld [tilespmem:s20+$0x2A0]  }
0x2a0: {  	[tilespmem:s18+$0xA0] =	vst v3;
	v3 =	vld [tilespmem:s20+$0x320]  }
0x2a1: {  	[tilespmem:s18+$0xFFFFFF20] =	vst v0;
	v0 =	vld [tilespmem:s20+$0x1A0]  }
0x2a2: {  	[tilespmem:s18+$0x120] =	vst v4;
	v4 =	vld [tilespmem:s20+$0xFFFFFCB0]  }
0x2a3: {  	v5 =	vld [tilespmem:s20+$0xFFFFFFB0];
	[tilespmem:s18+$0x220] =	vst v1  }
0x2a4: {  	v6 =	vld [tilespmem:s20+$0x30];
	[tilespmem:s18+$0x2A0] =	vst v2  }
0x2a5: {  	v7 =	vld [tilespmem:s20+$0xB0];
	[tilespmem:s18+$0x320] =	vst v3  }
0x2a6: {  	[tilespmem:s18+$0x1A0] =	vst v0;
	v0 =	vld [tilespmem:s20+$0xFFFFFD30]  }
0x2a7: {  	v1 =	vld [tilespmem:s20+$0xFFFFFDB0];
	[tilespmem:s18+$0xFFFFFCB0] =	vst v4  }
0x2a8: {  	v2 =	vld [tilespmem:s20+$0xFFFFFE30];
	[tilespmem:s18+$0xFFFFFFB0] =	vst v5  }
0x2a9: {  	v3 =	vld [tilespmem:s20+$0xFFFFFEB0];
	[tilespmem:s18+$0x30] =	vst v6  }
0x2aa: {  	v4 =	vld [tilespmem:s20+$0xFFFFFF30];
	[tilespmem:s18+$0xB0] =	vst v7  }
0x2ab: {  	[tilespmem:s18+$0xFFFFFD30] =	vst v0;
	v0 =	vld [tilespmem:s20+$0x130]  }
0x2ac: {  	[tilespmem:s18+$0xFFFFFDB0] =	vst v1;
	v1 =	vld [tilespmem:s20+$0x1B0]  }
0x2ad: {  	[tilespmem:s18+$0xFFFFFE30] =	vst v2;
	v2 =	vld [tilespmem:s20+$0x230]  }
0x2ae: {  	[tilespmem:s18+$0xFFFFFEB0] =	vst v3;
	v3 =	vld [tilespmem:s20+$0x2B0]  }
0x2af: {  	s19 =	simm.s32 $0x0;
	[tilespmem:s18+$0xFFFFFF30] =	vst v4;
	v4 =	vld [tilespmem:s20+$0x330];
	s20 =	simm.s32 $0xC00  }
.LBB2_12:
0x2b0: {  	v5 =	vld [tilespmem:s20+$0x380];
	s19 =	sadd.s32 $0x10, s19;
	[tilespmem:s18+$0x130] =	vst v0  }
0x2b1: {  	v0 =	vld [tilespmem:s20+$0xFFFFFC80];
	p0 =	slt.u32 s19, $0x70;
	[tilespmem:s18+$0x1B0] =	vst v1  }
0x2b2: {  	v1 =	vld [tilespmem:s20+$0xFFFFFD00];
	[tilespmem:s18+$0x230] =	vst v2  }
0x2b3: {  	v2 =	vld [tilespmem:s20+$0xFFFFFD80];
	[tilespmem:s18+$0x2B0] =	vst v3  }
0x2b4: {  	v3 =	vld [tilespmem:s20+$0xFFFFFE00];
	[tilespmem:s18+$0x330] =	vst v4;
	s18 =	sadd.s32 $0x800, s18  }
0x2b5: {  	v4 =	vld [tilespmem:s20+$0xFFFFFE80];
	[tilespmem:s18+$0x380] =	vst v5  }
0x2b6: {  	[tilespmem:s18+$0xFFFFFC80] =	vst v0;
	v0 =	vld [tilespmem:s20+$0x390]  }
0x2b7: {  	[tilespmem:s18+$0xFFFFFD00] =	vst v1;
	v1 =	vld [tilespmem:s20+$0xFFFFFF00]  }
0x2b8: {  	[tilespmem:s18+$0xFFFFFD80] =	vst v2;
	v2 =	vld [tilespmem:s20+$0xFFFFFF80]  }
0x2b9: {  	[tilespmem:s18+$0xFFFFFE00] =	vst v3;
	v3 =	vld [tilespmem:s20+$0x0]  }
0x2ba: {  	[tilespmem:s18+$0xFFFFFE80] =	vst v4;
	v4 =	vld [tilespmem:s20+$0x80]  }
0x2bb: {  	v5 =	vld [tilespmem:s20+$0x100];
	[tilespmem:s18+$0x390] =	vst v0  }
0x2bc: {  	[tilespmem:s18+$0xFFFFFF00] =	vst v1;
	v0 =	vld [tilespmem:s20+$0x3A0]  }
0x2bd: {  	[tilespmem:s18+$0xFFFFFF80] =	vst v2;
	v1 =	vld [tilespmem:s20+$0x180]  }
0x2be: {  	[tilespmem:s18+$0x0] =	vst v3;
	v2 =	vld [tilespmem:s20+$0x200]  }
0x2bf: {  	[tilespmem:s18+$0x80] =	vst v4;
	v3 =	vld [tilespmem:s20+$0x280]  }
0x2c0: {  	[tilespmem:s18+$0x100] =	vst v5;
	v4 =	vld [tilespmem:s20+$0x300]  }
0x2c1: {  	v5 =	vld [tilespmem:s20+$0xFFFFFC00];
	[tilespmem:s18+$0x3A0] =	vst v0  }
0x2c2: {  	[tilespmem:s18+$0x180] =	vst v1;
	v0 =	vld [tilespmem:s20+$0x3B0]  }
0x2c3: {  	v1 =	vld [tilespmem:s20+$0xFFFFFC90];
	[tilespmem:s18+$0x200] =	vst v2  }
0x2c4: {  	v2 =	vld [tilespmem:s20+$0xFFFFFD10];
	[tilespmem:s18+$0x280] =	vst v3  }
0x2c5: {  	v3 =	vld [tilespmem:s20+$0xFFFFFD90];
	[tilespmem:s18+$0x300] =	vst v4  }
0x2c6: {  	[tilespmem:s18+$0xFFFFFC00] =	vst v5;
	v4 =	vld [tilespmem:s20+$0xFFFFFE10]  }
0x2c7: {  	v5 =	vld [tilespmem:s20+$0xFFFFFC10];
	[tilespmem:s18+$0x3B0] =	vst v0  }
0x2c8: {  	[tilespmem:s18+$0xFFFFFC90] =	vst v1;
	v0 =	vld [tilespmem:s20+$0xFFFFFE90]  }
0x2c9: {  	[tilespmem:s18+$0xFFFFFD10] =	vst v2;
	v1 =	vld [tilespmem:s20+$0xFFFFFF10]  }
0x2ca: {  	[tilespmem:s18+$0xFFFFFD90] =	vst v3;
	v2 =	vld [tilespmem:s20+$0xFFFFFF90]  }
0x2cb: {  	[tilespmem:s18+$0xFFFFFE10] =	vst v4;
	v3 =	vld [tilespmem:s20+$0x10]  }
0x2cc: {  	[tilespmem:s18+$0xFFFFFC10] =	vst v5;
	v4 =	vld [tilespmem:s20+$0x90]  }
0x2cd: {  	[tilespmem:s18+$0xFFFFFE90] =	vst v0;
	v0 =	vld [tilespmem:s20+$0x110]  }
0x2ce: {  	[tilespmem:s18+$0xFFFFFF10] =	vst v1;
	v1 =	vld [tilespmem:s20+$0x190]  }
0x2cf: {  	[tilespmem:s18+$0xFFFFFF90] =	vst v2;
	v2 =	vld [tilespmem:s20+$0x210]  }
0x2d0: {  	[tilespmem:s18+$0x10] =	vst v3;
	v3 =	vld [tilespmem:s20+$0x290]  }
0x2d1: {  	[tilespmem:s18+$0x90] =	vst v4;
	v4 =	vld [tilespmem:s20+$0x310]  }
0x2d2: {  	v5 =	vld [tilespmem:s20+$0xFFFFFC20];
	[tilespmem:s18+$0x110] =	vst v0  }
0x2d3: {  	v0 =	vld [tilespmem:s20+$0xFFFFFCA0];
	[tilespmem:s18+$0x190] =	vst v1  }
0x2d4: {  	v1 =	vld [tilespmem:s20+$0xFFFFFD20];
	[tilespmem:s18+$0x210] =	vst v2  }
0x2d5: {  	v2 =	vld [tilespmem:s20+$0xFFFFFDA0];
	[tilespmem:s18+$0x290] =	vst v3  }
0x2d6: {  	v3 =	vld [tilespmem:s20+$0xFFFFFE20];
	[tilespmem:s18+$0x310] =	vst v4  }
0x2d7: {  	[tilespmem:s18+$0xFFFFFC20] =	vst v5;
	v4 =	vld [tilespmem:s20+$0xFFFFFEA0]  }
0x2d8: {  	[tilespmem:s18+$0xFFFFFCA0] =	vst v0;
	v0 =	vld [tilespmem:s20+$0xFFFFFF20]  }
0x2d9: {  	[tilespmem:s18+$0xFFFFFD20] =	vst v1;
	v1 =	vld [tilespmem:s20+$0xFFFFFFA0]  }
0x2da: {  	[tilespmem:s18+$0xFFFFFDA0] =	vst v2;
	v2 =	vld [tilespmem:s20+$0x20]  }
0x2db: {  	[tilespmem:s18+$0xFFFFFE20] =	vst v3;
	v3 =	vld [tilespmem:s20+$0xA0]  }
0x2dc: {  	[tilespmem:s18+$0xFFFFFEA0] =	vst v4;
	v4 =	vld [tilespmem:s20+$0x120]  }
0x2dd: {  	[tilespmem:s18+$0xFFFFFF20] =	vst v0;
	v0 =	vld [tilespmem:s20+$0x1A0]  }
0x2de: {  	[tilespmem:s18+$0xFFFFFFA0] =	vst v1;
	v1 =	vld [tilespmem:s20+$0x220]  }
0x2df: {  	[tilespmem:s18+$0x20] =	vst v2;
	v2 =	vld [tilespmem:s20+$0x2A0]  }
0x2e0: {  	[tilespmem:s18+$0xA0] =	vst v3;
	v3 =	vld [tilespmem:s20+$0x320]  }
0x2e1: {  	v5 =	vld [tilespmem:s20+$0xFFFFFC30];
	[tilespmem:s18+$0x120] =	vst v4  }
0x2e2: {  	v4 =	vld [tilespmem:s20+$0xFFFFFCB0];
	[tilespmem:s18+$0x1A0] =	vst v0  }
0x2e3: {  	v0 =	vld [tilespmem:s20+$0xFFFFFD30];
	[tilespmem:s18+$0x220] =	vst v1  }
0x2e4: {  	v1 =	vld [tilespmem:s20+$0xFFFFFDB0];
	[tilespmem:s18+$0x2A0] =	vst v2  }
0x2e5: {  	v2 =	vld [tilespmem:s20+$0xFFFFFE30];
	[tilespmem:s18+$0x320] =	vst v3  }
0x2e6: {  	[tilespmem:s18+$0xFFFFFC30] =	vst v5;
	v3 =	vld [tilespmem:s20+$0xFFFFFEB0]  }
0x2e7: {  	[tilespmem:s18+$0xFFFFFCB0] =	vst v4;
	v4 =	vld [tilespmem:s20+$0xFFFFFF30]  }
0x2e8: {  	[tilespmem:s18+$0xFFFFFD30] =	vst v0;
	v5 =	vld [tilespmem:s20+$0xFFFFFFB0]  }
0x2e9: {  	[tilespmem:s18+$0xFFFFFDB0] =	vst v1;
	v6 =	vld [tilespmem:s20+$0x30]  }
0x2ea: {  	[tilespmem:s18+$0xFFFFFE30] =	vst v2;
	v7 =	vld [tilespmem:s20+$0xB0]  }
.Ltmp5:
0x2eb: {  	[tilespmem:s18+$0xFFFFFEB0] =	vst v3;
	v0 =	vld [tilespmem:s20+$0x130];
	(pc) =	sbr.rel @p0 .LBB2_12-.Ltmp5, $4  }
0x2ec: {  	[tilespmem:s18+$0xFFFFFF30] =	vst v4;
	v1 =	vld [tilespmem:s20+$0x1B0]  }
0x2ed: {  	[tilespmem:s18+$0xFFFFFFB0] =	vst v5;
	v2 =	vld [tilespmem:s20+$0x230]  }
0x2ee: {  	[tilespmem:s18+$0x30] =	vst v6;
	v3 =	vld [tilespmem:s20+$0x2B0]  }
0x2ef: {  	[tilespmem:s18+$0xB0] =	vst v7;
	v4 =	vld [tilespmem:s20+$0x330];
	s20 =	sadd.s32 $0x800, s20  }
0x2f0: {  	[tilespmem:s18+$0x130] =	vst v0  }
0x2f1: {  	[tilespmem:s18+$0x1B0] =	vst v1  }
0x2f2: {  	[tilespmem:s18+$0x230] =	vst v2  }
0x2f3: {  	[tilespmem:s18+$0x2B0] =	vst v3  }
0x2f4: {  	[tilespmem:s18+$0x330] =	vst v4  }
0x2f5: {  	s18 =	rddreg [dreg:$0xd]  }
0x2f6: {  	[hbm4b:s18+s6] =	stream.linear.scatter [tilespmem:s4], [sflag:$0x3], $0x4000, $0x38;
	[tilespmem:$0x18200] =	vst v63  }
0x2f7: {  	_ =	swait.ge [sflag:s3], $0x4000  }
0x2f8: {  	[sflag:s3] =	ssyncset.done $0x0  }
0x2f9: {  	[sflag:s3] =	ssyncadd.s32 $0xFFFFC000  }
0x2fa: {  	_ =	swait.ge [sflag:s12], $0x4000  }
0x2fb: {  	[sflag:s12] =	ssyncset.done $0x0  }
0x2fc: {  	s20 =	simm.s32 $0x4400;
	[sflag:s12] =	ssyncadd.s32 $0xFFFFC000  }
0x2fd: {  	v0 =	vld [tilespmem:s20+$0x380]  }
0x2fe: {  	v1 =	vld [tilespmem:s20+$0xFFFFFC80]  }
0x2ff: {  	v2 =	vld [tilespmem:s20+$0xFFFFFD00]  }
0x300: {  	v3 =	vld [tilespmem:s20+$0xFFFFFD80]  }
0x301: {  	s18 =	simm.s32 $0xC400;
	v4 =	vld [tilespmem:s20+$0xFFFFFE00]  }
0x302: {  	v5 =	vld [tilespmem:s20+$0xFFFFFE80];
	[tilespmem:s18+$0x380] =	vst v0  }
0x303: {  	[tilespmem:s18+$0xFFFFFC80] =	vst v1;
	v1 =	vld [tilespmem:s20+$0xFFFFFF00]  }
0x304: {  	[tilespmem:s18+$0xFFFFFD00] =	vst v2;
	v2 =	vld [tilespmem:s20+$0xFFFFFF80]  }
0x305: {  	[tilespmem:s18+$0xFFFFFD80] =	vst v3;
	v3 =	vld [tilespmem:s20+$0x0]  }
0x306: {  	[tilespmem:s18+$0xFFFFFE00] =	vst v4;
	v4 =	vld [tilespmem:s20+$0x80]  }
0x307: {  	[tilespmem:s18+$0xFFFFFE80] =	vst v5;
	v5 =	vld [tilespmem:s20+$0x100]  }
0x308: {  	v0 =	vld [tilespmem:s20+$0x390];
	[tilespmem:s18+$0xFFFFFF00] =	vst v1  }
0x309: {  	[tilespmem:s18+$0xFFFFFF80] =	vst v2;
	v1 =	vld [tilespmem:s20+$0x180]  }
0x30a: {  	[tilespmem:s18+$0x0] =	vst v3;
	v2 =	vld [tilespmem:s20+$0x200]  }
0x30b: {  	[tilespmem:s18+$0x80] =	vst v4;
	v3 =	vld [tilespmem:s20+$0x280]  }
0x30c: {  	[tilespmem:s18+$0x100] =	vst v5;
	v4 =	vld [tilespmem:s20+$0x300]  }
0x30d: {  	v5 =	vld [tilespmem:s20+$0xFFFFFC00];
	[tilespmem:s18+$0x390] =	vst v0  }
0x30e: {  	v0 =	vld [tilespmem:s20+$0x3A0];
	[tilespmem:s18+$0x180] =	vst v1  }
0x30f: {  	v1 =	vld [tilespmem:s20+$0xFFFFFC90];
	[tilespmem:s18+$0x200] =	vst v2  }
0x310: {  	v2 =	vld [tilespmem:s20+$0xFFFFFD10];
	[tilespmem:s18+$0x280] =	vst v3  }
0x311: {  	v3 =	vld [tilespmem:s20+$0xFFFFFD90];
	[tilespmem:s18+$0x300] =	vst v4  }
0x312: {  	[tilespmem:s18+$0xFFFFFC00] =	vst v5;
	v4 =	vld [tilespmem:s20+$0xFFFFFE10]  }
0x313: {  	v5 =	vld [tilespmem:s20+$0xFFFFFC10];
	[tilespmem:s18+$0x3A0] =	vst v0  }
0x314: {  	v0 =	vld [tilespmem:s20+$0x3B0];
	[tilespmem:s18+$0xFFFFFC90] =	vst v1  }
0x315: {  	[tilespmem:s18+$0xFFFFFD10] =	vst v2;
	v1 =	vld [tilespmem:s20+$0xFFFFFF10]  }
0x316: {  	[tilespmem:s18+$0xFFFFFD90] =	vst v3;
	v2 =	vld [tilespmem:s20+$0xFFFFFF90]  }
0x317: {  	[tilespmem:s18+$0xFFFFFE10] =	vst v4;
	v3 =	vld [tilespmem:s20+$0x10]  }
0x318: {  	v4 =	vld [tilespmem:s20+$0x90];
	[tilespmem:s18+$0xFFFFFC10] =	vst v5  }
0x319: {  	v5 =	vld [tilespmem:s20+$0xFFFFFC20];
	[tilespmem:s18+$0x3B0] =	vst v0  }
0x31a: {  	v0 =	vld [tilespmem:s20+$0xFFFFFE90];
	[tilespmem:s18+$0xFFFFFF10] =	vst v1  }
0x31b: {  	v1 =	vld [tilespmem:s20+$0x190];
	[tilespmem:s18+$0xFFFFFF90] =	vst v2  }
0x31c: {  	v2 =	vld [tilespmem:s20+$0x210];
	[tilespmem:s18+$0x10] =	vst v3  }
0x31d: {  	v3 =	vld [tilespmem:s20+$0x290];
	[tilespmem:s18+$0x90] =	vst v4  }
0x31e: {  	v4 =	vld [tilespmem:s20+$0x310];
	[tilespmem:s18+$0xFFFFFC20] =	vst v5  }
0x31f: {  	[tilespmem:s18+$0xFFFFFE90] =	vst v0;
	v0 =	vld [tilespmem:s20+$0x110]  }
0x320: {  	v5 =	vld [tilespmem:s20+$0xFFFFFC30];
	[tilespmem:s18+$0x190] =	vst v1  }
0x321: {  	v1 =	vld [tilespmem:s20+$0xFFFFFD20];
	[tilespmem:s18+$0x210] =	vst v2  }
0x322: {  	v2 =	vld [tilespmem:s20+$0xFFFFFDA0];
	[tilespmem:s18+$0x290] =	vst v3  }
0x323: {  	v3 =	vld [tilespmem:s20+$0xFFFFFE20];
	[tilespmem:s18+$0x310] =	vst v4  }
0x324: {  	[tilespmem:s18+$0x110] =	vst v0;
	v0 =	vld [tilespmem:s20+$0xFFFFFCA0]  }
0x325: {  	v4 =	vld [tilespmem:s20+$0xFFFFFEA0];
	[tilespmem:s18+$0xFFFFFC30] =	vst v5  }
0x326: {  	[tilespmem:s18+$0xFFFFFD20] =	vst v1;
	v1 =	vld [tilespmem:s20+$0xFFFFFFA0]  }
0x327: {  	[tilespmem:s18+$0xFFFFFDA0] =	vst v2;
	v2 =	vld [tilespmem:s20+$0x20]  }
0x328: {  	[tilespmem:s18+$0xFFFFFE20] =	vst v3;
	v3 =	vld [tilespmem:s20+$0xA0]  }
0x329: {  	[tilespmem:s18+$0xFFFFFCA0] =	vst v0;
	v0 =	vld [tilespmem:s20+$0xFFFFFF20]  }
0x32a: {  	[tilespmem:s18+$0xFFFFFEA0] =	vst v4;
	v4 =	vld [tilespmem:s20+$0x120]  }
0x32b: {  	[tilespmem:s18+$0xFFFFFFA0] =	vst v1;
	v1 =	vld [tilespmem:s20+$0x220]  }
0x32c: {  	[tilespmem:s18+$0x20] =	vst v2;
	v2 =	vld [tilespmem:s20+$0x2A0]  }
0x32d: {  	[tilespmem:s18+$0xA0] =	vst v3;
	v3 =	vld [tilespmem:s20+$0x320]  }
0x32e: {  	[tilespmem:s18+$0xFFFFFF20] =	vst v0;
	v0 =	vld [tilespmem:s20+$0x1A0]  }
0x32f: {  	[tilespmem:s18+$0x120] =	vst v4;
	v4 =	vld [tilespmem:s20+$0xFFFFFCB0]  }
0x330: {  	v5 =	vld [tilespmem:s20+$0xFFFFFFB0];
	[tilespmem:s18+$0x220] =	vst v1  }
0x331: {  	v6 =	vld [tilespmem:s20+$0x30];
	[tilespmem:s18+$0x2A0] =	vst v2  }
0x332: {  	v7 =	vld [tilespmem:s20+$0xB0];
	[tilespmem:s18+$0x320] =	vst v3  }
0x333: {  	[tilespmem:s18+$0x1A0] =	vst v0;
	v0 =	vld [tilespmem:s20+$0xFFFFFD30]  }
0x334: {  	v1 =	vld [tilespmem:s20+$0xFFFFFDB0];
	[tilespmem:s18+$0xFFFFFCB0] =	vst v4  }
0x335: {  	v2 =	vld [tilespmem:s20+$0xFFFFFE30];
	[tilespmem:s18+$0xFFFFFFB0] =	vst v5  }
0x336: {  	v3 =	vld [tilespmem:s20+$0xFFFFFEB0];
	[tilespmem:s18+$0x30] =	vst v6  }
0x337: {  	v4 =	vld [tilespmem:s20+$0xFFFFFF30];
	[tilespmem:s18+$0xB0] =	vst v7  }
0x338: {  	[tilespmem:s18+$0xFFFFFD30] =	vst v0;
	v0 =	vld [tilespmem:s20+$0x130]  }
0x339: {  	[tilespmem:s18+$0xFFFFFDB0] =	vst v1;
	v1 =	vld [tilespmem:s20+$0x1B0]  }
0x33a: {  	[tilespmem:s18+$0xFFFFFE30] =	vst v2;
	v2 =	vld [tilespmem:s20+$0x230]  }
0x33b: {  	[tilespmem:s18+$0xFFFFFEB0] =	vst v3;
	v3 =	vld [tilespmem:s20+$0x2B0]  }
0x33c: {  	s19 =	simm.s32 $0x0;
	[tilespmem:s18+$0xFFFFFF30] =	vst v4;
	v4 =	vld [tilespmem:s20+$0x330];
	s20 =	simm.s32 $0x4C00  }
.LBB2_14:
0x33d: {  	v5 =	vld [tilespmem:s20+$0x380];
	s19 =	sadd.s32 $0x10, s19;
	[tilespmem:s18+$0x130] =	vst v0  }
0x33e: {  	v0 =	vld [tilespmem:s20+$0xFFFFFC80];
	p0 =	slt.u32 s19, $0x70;
	[tilespmem:s18+$0x1B0] =	vst v1  }
0x33f: {  	v1 =	vld [tilespmem:s20+$0xFFFFFD00];
	[tilespmem:s18+$0x230] =	vst v2  }
0x340: {  	v2 =	vld [tilespmem:s20+$0xFFFFFD80];
	[tilespmem:s18+$0x2B0] =	vst v3  }
0x341: {  	v3 =	vld [tilespmem:s20+$0xFFFFFE00];
	[tilespmem:s18+$0x330] =	vst v4;
	s18 =	sadd.s32 $0x800, s18  }
0x342: {  	v4 =	vld [tilespmem:s20+$0xFFFFFE80];
	[tilespmem:s18+$0x380] =	vst v5  }
0x343: {  	[tilespmem:s18+$0xFFFFFC80] =	vst v0;
	v0 =	vld [tilespmem:s20+$0x390]  }
0x344: {  	[tilespmem:s18+$0xFFFFFD00] =	vst v1;
	v1 =	vld [tilespmem:s20+$0xFFFFFF00]  }
0x345: {  	[tilespmem:s18+$0xFFFFFD80] =	vst v2;
	v2 =	vld [tilespmem:s20+$0xFFFFFF80]  }
0x346: {  	[tilespmem:s18+$0xFFFFFE00] =	vst v3;
	v3 =	vld [tilespmem:s20+$0x0]  }
0x347: {  	[tilespmem:s18+$0xFFFFFE80] =	vst v4;
	v4 =	vld [tilespmem:s20+$0x80]  }
0x348: {  	v5 =	vld [tilespmem:s20+$0x100];
	[tilespmem:s18+$0x390] =	vst v0  }
0x349: {  	[tilespmem:s18+$0xFFFFFF00] =	vst v1;
	v0 =	vld [tilespmem:s20+$0x3A0]  }
0x34a: {  	[tilespmem:s18+$0xFFFFFF80] =	vst v2;
	v1 =	vld [tilespmem:s20+$0x180]  }
0x34b: {  	[tilespmem:s18+$0x0] =	vst v3;
	v2 =	vld [tilespmem:s20+$0x200]  }
0x34c: {  	[tilespmem:s18+$0x80] =	vst v4;
	v3 =	vld [tilespmem:s20+$0x280]  }
0x34d: {  	[tilespmem:s18+$0x100] =	vst v5;
	v4 =	vld [tilespmem:s20+$0x300]  }
0x34e: {  	v5 =	vld [tilespmem:s20+$0xFFFFFC00];
	[tilespmem:s18+$0x3A0] =	vst v0  }
0x34f: {  	[tilespmem:s18+$0x180] =	vst v1;
	v0 =	vld [tilespmem:s20+$0x3B0]  }
0x350: {  	v1 =	vld [tilespmem:s20+$0xFFFFFC90];
	[tilespmem:s18+$0x200] =	vst v2  }
0x351: {  	v2 =	vld [tilespmem:s20+$0xFFFFFD10];
	[tilespmem:s18+$0x280] =	vst v3  }
0x352: {  	v3 =	vld [tilespmem:s20+$0xFFFFFD90];
	[tilespmem:s18+$0x300] =	vst v4  }
0x353: {  	[tilespmem:s18+$0xFFFFFC00] =	vst v5;
	v4 =	vld [tilespmem:s20+$0xFFFFFE10]  }
0x354: {  	v5 =	vld [tilespmem:s20+$0xFFFFFC10];
	[tilespmem:s18+$0x3B0] =	vst v0  }
0x355: {  	[tilespmem:s18+$0xFFFFFC90] =	vst v1;
	v0 =	vld [tilespmem:s20+$0xFFFFFE90]  }
0x356: {  	[tilespmem:s18+$0xFFFFFD10] =	vst v2;
	v1 =	vld [tilespmem:s20+$0xFFFFFF10]  }
0x357: {  	[tilespmem:s18+$0xFFFFFD90] =	vst v3;
	v2 =	vld [tilespmem:s20+$0xFFFFFF90]  }
0x358: {  	[tilespmem:s18+$0xFFFFFE10] =	vst v4;
	v3 =	vld [tilespmem:s20+$0x10]  }
0x359: {  	[tilespmem:s18+$0xFFFFFC10] =	vst v5;
	v4 =	vld [tilespmem:s20+$0x90]  }
0x35a: {  	[tilespmem:s18+$0xFFFFFE90] =	vst v0;
	v0 =	vld [tilespmem:s20+$0x110]  }
0x35b: {  	[tilespmem:s18+$0xFFFFFF10] =	vst v1;
	v1 =	vld [tilespmem:s20+$0x190]  }
0x35c: {  	[tilespmem:s18+$0xFFFFFF90] =	vst v2;
	v2 =	vld [tilespmem:s20+$0x210]  }
0x35d: {  	[tilespmem:s18+$0x10] =	vst v3;
	v3 =	vld [tilespmem:s20+$0x290]  }
0x35e: {  	[tilespmem:s18+$0x90] =	vst v4;
	v4 =	vld [tilespmem:s20+$0x310]  }
0x35f: {  	v5 =	vld [tilespmem:s20+$0xFFFFFC20];
	[tilespmem:s18+$0x110] =	vst v0  }
0x360: {  	v0 =	vld [tilespmem:s20+$0xFFFFFCA0];
	[tilespmem:s18+$0x190] =	vst v1  }
0x361: {  	v1 =	vld [tilespmem:s20+$0xFFFFFD20];
	[tilespmem:s18+$0x210] =	vst v2  }
0x362: {  	v2 =	vld [tilespmem:s20+$0xFFFFFDA0];
	[tilespmem:s18+$0x290] =	vst v3  }
0x363: {  	v3 =	vld [tilespmem:s20+$0xFFFFFE20];
	[tilespmem:s18+$0x310] =	vst v4  }
0x364: {  	[tilespmem:s18+$0xFFFFFC20] =	vst v5;
	v4 =	vld [tilespmem:s20+$0xFFFFFEA0]  }
0x365: {  	[tilespmem:s18+$0xFFFFFCA0] =	vst v0;
	v0 =	vld [tilespmem:s20+$0xFFFFFF20]  }
0x366: {  	[tilespmem:s18+$0xFFFFFD20] =	vst v1;
	v1 =	vld [tilespmem:s20+$0xFFFFFFA0]  }
0x367: {  	[tilespmem:s18+$0xFFFFFDA0] =	vst v2;
	v2 =	vld [tilespmem:s20+$0x20]  }
0x368: {  	[tilespmem:s18+$0xFFFFFE20] =	vst v3;
	v3 =	vld [tilespmem:s20+$0xA0]  }
0x369: {  	[tilespmem:s18+$0xFFFFFEA0] =	vst v4;
	v4 =	vld [tilespmem:s20+$0x120]  }
0x36a: {  	[tilespmem:s18+$0xFFFFFF20] =	vst v0;
	v0 =	vld [tilespmem:s20+$0x1A0]  }
0x36b: {  	[tilespmem:s18+$0xFFFFFFA0] =	vst v1;
	v1 =	vld [tilespmem:s20+$0x220]  }
0x36c: {  	[tilespmem:s18+$0x20] =	vst v2;
	v2 =	vld [tilespmem:s20+$0x2A0]  }
0x36d: {  	[tilespmem:s18+$0xA0] =	vst v3;
	v3 =	vld [tilespmem:s20+$0x320]  }
0x36e: {  	v5 =	vld [tilespmem:s20+$0xFFFFFC30];
	[tilespmem:s18+$0x120] =	vst v4  }
0x36f: {  	v4 =	vld [tilespmem:s20+$0xFFFFFCB0];
	[tilespmem:s18+$0x1A0] =	vst v0  }
0x370: {  	v0 =	vld [tilespmem:s20+$0xFFFFFD30];
	[tilespmem:s18+$0x220] =	vst v1  }
0x371: {  	v1 =	vld [tilespmem:s20+$0xFFFFFDB0];
	[tilespmem:s18+$0x2A0] =	vst v2  }
0x372: {  	v2 =	vld [tilespmem:s20+$0xFFFFFE30];
	[tilespmem:s18+$0x320] =	vst v3  }
0x373: {  	[tilespmem:s18+$0xFFFFFC30] =	vst v5;
	v3 =	vld [tilespmem:s20+$0xFFFFFEB0]  }
0x374: {  	[tilespmem:s18+$0xFFFFFCB0] =	vst v4;
	v4 =	vld [tilespmem:s20+$0xFFFFFF30]  }
0x375: {  	[tilespmem:s18+$0xFFFFFD30] =	vst v0;
	v5 =	vld [tilespmem:s20+$0xFFFFFFB0]  }
0x376: {  	[tilespmem:s18+$0xFFFFFDB0] =	vst v1;
	v6 =	vld [tilespmem:s20+$0x30]  }
0x377: {  	[tilespmem:s18+$0xFFFFFE30] =	vst v2;
	v7 =	vld [tilespmem:s20+$0xB0]  }
.Ltmp6:
0x378: {  	[tilespmem:s18+$0xFFFFFEB0] =	vst v3;
	v0 =	vld [tilespmem:s20+$0x130];
	(pc) =	sbr.rel @p0 .LBB2_14-.Ltmp6, $4  }
0x379: {  	[tilespmem:s18+$0xFFFFFF30] =	vst v4;
	v1 =	vld [tilespmem:s20+$0x1B0]  }
0x37a: {  	[tilespmem:s18+$0xFFFFFFB0] =	vst v5;
	v2 =	vld [tilespmem:s20+$0x230]  }
0x37b: {  	[tilespmem:s18+$0x30] =	vst v6;
	v3 =	vld [tilespmem:s20+$0x2B0]  }
0x37c: {  	[tilespmem:s18+$0xB0] =	vst v7;
	v4 =	vld [tilespmem:s20+$0x330];
	s20 =	sadd.s32 $0x800, s20  }
0x37d: {  	[tilespmem:s18+$0x130] =	vst v0  }
0x37e: {  	[tilespmem:s18+$0x1B0] =	vst v1  }
0x37f: {  	[tilespmem:s18+$0x230] =	vst v2  }
0x380: {  	[tilespmem:s18+$0x2B0] =	vst v3  }
0x381: {  	[tilespmem:s18+$0x330] =	vst v4  }
0x382: {  	s18 =	rddreg [dreg:$0xe]  }
0x383: {  	[hbm4b:s18+s6] =	stream.linear.scatter [tilespmem:s5], [sflag:$0x4], $0x4000, $0x38;
	[tilespmem:$0x18200] =	vst v63  }
0x384: {  	_ =	swait.ge [sflag:s10], $0x4000  }
0x385: {  	[sflag:s10] =	ssyncset.done $0x0  }
0x386: {  	[sflag:s10] =	ssyncadd.s32 $0xFFFFC000  }
0x387: {  	_ =	swait.ge [sflag:s12], $0x4000  }
0x388: {  	[sflag:s12] =	ssyncset.done $0x0  }
0x389: {  	s19 =	simm.s32 $0x10100;
	s20 =	rddreg [dreg:$0xf];
	[sflag:s12] =	ssyncadd.s32 $0xFFFFC000  }
0x38a: {  	[tilespmem:s19], [sflag:$0x8] =	stream.linear.gather [hbm4b:s20+s6], $0x80, $0x38;
	[tilespmem:$0x18200] =	vst v63  }
0x38b: {  	_ =	swait.ge [sflag:s13], $0x80  }
0x38c: {  	[sflag:s13] =	ssyncset.done $0x0  }
0x38d: {  	s20 =	simm.s32 $0x10180;
	s21 =	rddreg [dreg:$0x10];
	[sflag:s13] =	ssyncadd.s32 $0xFFFFFF80  }
0x38e: {  	[tilespmem:s20], [sflag:$0x8] =	stream.linear.gather [hbm4b:s21+s6], $0x80, $0x38;
	[tilespmem:$0x18200] =	vst v63  }
0x38f: {  	_ =	swait.ge [sflag:s13], $0x80  }
0x390: {  	[sflag:s13] =	ssyncset.done $0x0  }
0x391: {  	[sflag:s13] =	ssyncadd.s32 $0xFFFFFF80  }
0x392: {  	s22 =	rddreg [dreg:$0x4]  }
0x393: {  	[tilespmem:s6], [sflag:$0x7] =	stream.indirect.gather [hbm4b:s22+s29], $0x80, s19, s29, $0xb8;
	[tilespmem:$0x18200] =	vst v63  }
0x394: {  	s21 =	rddreg [dreg:$0x5]  }
0x395: {  	[tilespmem:s31], [sflag:$0x7] =	stream.indirect.gather [hbm4b:s21+s29], $0x80, s20, s29, $0xb8;
	[tilespmem:$0x18200] =	vst v63  }
0x396: {  	_ =	swait.ge [sflag:s14], $0x4000  }
0x397: {  	[sflag:s14] =	ssyncset.done $0x0  }
0x398: {  	[sflag:s14] =	ssyncadd.s32 $0xFFFFC000  }
0x399: {  	_ =	swait.ge [sflag:s14], $0x4000  }
0x39a: {  	[sflag:s14] =	ssyncset.done $0x0  }
0x39b: {  	s22 =	simm.s32 $0x400;
	[sflag:s14] =	ssyncadd.s32 $0xFFFFC000  }
0x39c: {  	v0 =	vld [tilespmem:s22+$0x380]  }
0x39d: {  	v1 =	vld [tilespmem:s22+$0xFFFFFC80]  }
0x39e: {  	v2 =	vld [tilespmem:s22+$0xFFFFFD00]  }
0x39f: {  	v3 =	vld [tilespmem:s22+$0xFFFFFD80]  }
0x3a0: {  	s19 =	simm.s32 $0x10600;
	v4 =	vld [tilespmem:s22+$0xFFFFFE00]  }
0x3a1: {  	v5 =	vld [tilespmem:s22+$0xFFFFFE80];
	[tilespmem:s19+$0x380] =	vst v0  }
0x3a2: {  	[tilespmem:s19+$0xFFFFFC80] =	vst v1;
	v1 =	vld [tilespmem:s22+$0xFFFFFF00]  }
0x3a3: {  	[tilespmem:s19+$0xFFFFFD00] =	vst v2;
	v2 =	vld [tilespmem:s22+$0xFFFFFF80]  }
0x3a4: {  	[tilespmem:s19+$0xFFFFFD80] =	vst v3;
	v3 =	vld [tilespmem:s22+$0x0]  }
0x3a5: {  	[tilespmem:s19+$0xFFFFFE00] =	vst v4;
	v4 =	vld [tilespmem:s22+$0x80]  }
0x3a6: {  	[tilespmem:s19+$0xFFFFFE80] =	vst v5;
	v5 =	vld [tilespmem:s22+$0x100]  }
0x3a7: {  	v0 =	vld [tilespmem:s22+$0x390];
	[tilespmem:s19+$0xFFFFFF00] =	vst v1  }
0x3a8: {  	[tilespmem:s19+$0xFFFFFF80] =	vst v2;
	v1 =	vld [tilespmem:s22+$0x200]  }
0x3a9: {  	[tilespmem:s19+$0x0] =	vst v3;
	v2 =	vld [tilespmem:s22+$0x280]  }
0x3aa: {  	[tilespmem:s19+$0x80] =	vst v4;
	v3 =	vld [tilespmem:s22+$0x300]  }
0x3ab: {  	v4 =	vld [tilespmem:s22+$0xFFFFFC00];
	[tilespmem:s19+$0x100] =	vst v5  }
0x3ac: {  	v5 =	vld [tilespmem:s22+$0xFFFFFC90];
	[tilespmem:s19+$0x390] =	vst v0  }
0x3ad: {  	v0 =	vld [tilespmem:s22+$0x180];
	[tilespmem:s19+$0x200] =	vst v1  }
0x3ae: {  	v6 =	vld [tilespmem:s22+$0xFFFFFF90];
	[tilespmem:s19+$0x280] =	vst v2  }
0x3af: {  	v7 =	vld [tilespmem:s22+$0x10];
	[tilespmem:s19+$0x300] =	vst v3  }
0x3b0: {  	v8 =	vld [tilespmem:s22+$0x90];
	[tilespmem:s19+$0xFFFFFC00] =	vst v4  }
0x3b1: {  	v1 =	vld [tilespmem:s22+$0xFFFFFD90];
	[tilespmem:s19+$0xFFFFFC90] =	vst v5  }
0x3b2: {  	[tilespmem:s19+$0x180] =	vst v0;
	v0 =	vld [tilespmem:s22+$0xFFFFFD10]  }
0x3b3: {  	v2 =	vld [tilespmem:s22+$0xFFFFFE10];
	[tilespmem:s19+$0xFFFFFF90] =	vst v6  }
0x3b4: {  	v3 =	vld [tilespmem:s22+$0xFFFFFE90];
	[tilespmem:s19+$0x10] =	vst v7  }
0x3b5: {  	v5 =	vld [tilespmem:s22+$0xFFFFFF10];
	[tilespmem:s19+$0x90] =	vst v8  }
0x3b6: {  	v4 =	vld [tilespmem:s22+$0xFFFFFC10];
	[tilespmem:s19+$0xFFFFFD90] =	vst v1  }
0x3b7: {  	[tilespmem:s19+$0xFFFFFD10] =	vst v0;
	v0 =	vld [tilespmem:s22+$0x110]  }
0x3b8: {  	[tilespmem:s19+$0xFFFFFE10] =	vst v2;
	v1 =	vld [tilespmem:s22+$0x190]  }
0x3b9: {  	[tilespmem:s19+$0xFFFFFE90] =	vst v3;
	v2 =	vld [tilespmem:s22+$0x210]  }
0x3ba: {  	[tilespmem:s19+$0xFFFFFF10] =	vst v5;
	v3 =	vld [tilespmem:s22+$0x290]  }
0x3bb: {  	s18 =	simm.s32 $0x14600;
	s21 =	simm.s32 $0x0;
	[tilespmem:s19+$0xFFFFFC10] =	vst v4;
	v4 =	vld [tilespmem:s22+$0x310];
	s22 =	simm.s32 $0xC00  }
.LBB2_16:
0x3bc: {  	v5 =	vld [tilespmem:s22+$0x380];
	s21 =	sadd.s32 $0x10, s21;
	[tilespmem:s19+$0x110] =	vst v0  }
0x3bd: {  	v0 =	vld [tilespmem:s22+$0xFFFFFC80];
	p0 =	slt.u32 s21, $0x70;
	[tilespmem:s19+$0x190] =	vst v1  }
0x3be: {  	v1 =	vld [tilespmem:s22+$0xFFFFFD00];
	[tilespmem:s19+$0x210] =	vst v2  }
0x3bf: {  	v2 =	vld [tilespmem:s22+$0xFFFFFD80];
	[tilespmem:s19+$0x290] =	vst v3  }
0x3c0: {  	v3 =	vld [tilespmem:s22+$0xFFFFFE00];
	[tilespmem:s19+$0x310] =	vst v4;
	s19 =	sadd.s32 $0x800, s19  }
0x3c1: {  	v4 =	vld [tilespmem:s22+$0xFFFFFE80];
	[tilespmem:s19+$0x380] =	vst v5  }
0x3c2: {  	[tilespmem:s19+$0xFFFFFC80] =	vst v0;
	v0 =	vld [tilespmem:s22+$0x390]  }
0x3c3: {  	[tilespmem:s19+$0xFFFFFD00] =	vst v1;
	v1 =	vld [tilespmem:s22+$0xFFFFFF00]  }
0x3c4: {  	[tilespmem:s19+$0xFFFFFD80] =	vst v2;
	v2 =	vld [tilespmem:s22+$0xFFFFFF80]  }
0x3c5: {  	[tilespmem:s19+$0xFFFFFE00] =	vst v3;
	v3 =	vld [tilespmem:s22+$0x0]  }
0x3c6: {  	[tilespmem:s19+$0xFFFFFE80] =	vst v4;
	v4 =	vld [tilespmem:s22+$0x80]  }
0x3c7: {  	s20 =	simm.s32 $0x4400;
	v5 =	vld [tilespmem:s22+$0x100];
	[tilespmem:s19+$0x390] =	vst v0  }
0x3c8: {  	[tilespmem:s19+$0xFFFFFF00] =	vst v1;
	v0 =	vld [tilespmem:s22+$0x180]  }
0x3c9: {  	[tilespmem:s19+$0xFFFFFF80] =	vst v2;
	v1 =	vld [tilespmem:s22+$0x200]  }
0x3ca: {  	[tilespmem:s19+$0x0] =	vst v3;
	v2 =	vld [tilespmem:s22+$0x280]  }
0x3cb: {  	[tilespmem:s19+$0x80] =	vst v4;
	v3 =	vld [tilespmem:s22+$0x300]  }
0x3cc: {  	v4 =	vld [tilespmem:s22+$0xFFFFFC00];
	[tilespmem:s19+$0x100] =	vst v5  }
0x3cd: {  	v5 =	vld [tilespmem:s22+$0xFFFFFC90];
	[tilespmem:s19+$0x180] =	vst v0  }
0x3ce: {  	v0 =	vld [tilespmem:s22+$0xFFFFFD10];
	[tilespmem:s19+$0x200] =	vst v1  }
0x3cf: {  	v1 =	vld [tilespmem:s22+$0xFFFFFD90];
	[tilespmem:s19+$0x280] =	vst v2  }
0x3d0: {  	v2 =	vld [tilespmem:s22+$0xFFFFFE10];
	[tilespmem:s19+$0x300] =	vst v3  }
0x3d1: {  	[tilespmem:s19+$0xFFFFFC00] =	vst v4;
	v3 =	vld [tilespmem:s22+$0xFFFFFE90]  }
0x3d2: {  	v4 =	vld [tilespmem:s22+$0xFFFFFC10];
	[tilespmem:s19+$0xFFFFFC90] =	vst v5  }
0x3d3: {  	[tilespmem:s19+$0xFFFFFD10] =	vst v0;
	v5 =	vld [tilespmem:s22+$0xFFFFFF10]  }
0x3d4: {  	[tilespmem:s19+$0xFFFFFD90] =	vst v1;
	v6 =	vld [tilespmem:s22+$0xFFFFFF90]  }
0x3d5: {  	[tilespmem:s19+$0xFFFFFE10] =	vst v2;
	v7 =	vld [tilespmem:s22+$0x10]  }
0x3d6: {  	[tilespmem:s19+$0xFFFFFE90] =	vst v3;
	v8 =	vld [tilespmem:s22+$0x90]  }
.Ltmp7:
0x3d7: {  	[tilespmem:s19+$0xFFFFFC10] =	vst v4;
	v0 =	vld [tilespmem:s22+$0x110];
	(pc) =	sbr.rel @p0 .LBB2_16-.Ltmp7, $4  }
0x3d8: {  	[tilespmem:s19+$0xFFFFFF10] =	vst v5;
	v1 =	vld [tilespmem:s22+$0x190]  }
0x3d9: {  	[tilespmem:s19+$0xFFFFFF90] =	vst v6;
	v2 =	vld [tilespmem:s22+$0x210]  }
0x3da: {  	[tilespmem:s19+$0x10] =	vst v7;
	v3 =	vld [tilespmem:s22+$0x290]  }
0x3db: {  	[tilespmem:s19+$0x90] =	vst v8;
	v4 =	vld [tilespmem:s22+$0x310];
	s22 =	sadd.s32 $0x800, s22  }
0x3dc: {  	[tilespmem:s19+$0x110] =	vst v0  }
0x3dd: {  	[tilespmem:s19+$0x190] =	vst v1  }
0x3de: {  	[tilespmem:s19+$0x210] =	vst v2  }
0x3df: {  	[tilespmem:s19+$0x290] =	vst v3  }
0x3e0: {  	[tilespmem:s19+$0x310] =	vst v4  }
0x3e1: {  	v0 =	vld [tilespmem:s20+$0x380]  }
0x3e2: {  	v1 =	vld [tilespmem:s20+$0xFFFFFC80]  }
0x3e3: {  	v2 =	vld [tilespmem:s20+$0xFFFFFD00]  }
0x3e4: {  	v3 =	vld [tilespmem:s20+$0xFFFFFD80]  }
0x3e5: {  	v4 =	vld [tilespmem:s20+$0xFFFFFE00]  }
0x3e6: {  	v5 =	vld [tilespmem:s20+$0xFFFFFE80];
	[tilespmem:s18+$0x380] =	vst v0  }
0x3e7: {  	[tilespmem:s18+$0xFFFFFC80] =	vst v1;
	v1 =	vld [tilespmem:s20+$0xFFFFFF00]  }
0x3e8: {  	[tilespmem:s18+$0xFFFFFD00] =	vst v2;
	v2 =	vld [tilespmem:s20+$0xFFFFFF80]  }
0x3e9: {  	[tilespmem:s18+$0xFFFFFD80] =	vst v3;
	v3 =	vld [tilespmem:s20+$0x0]  }
0x3ea: {  	[tilespmem:s18+$0xFFFFFE00] =	vst v4;
	v4 =	vld [tilespmem:s20+$0x80]  }
0x3eb: {  	[tilespmem:s18+$0xFFFFFE80] =	vst v5;
	v5 =	vld [tilespmem:s20+$0x100]  }
0x3ec: {  	v0 =	vld [tilespmem:s20+$0x390];
	[tilespmem:s18+$0xFFFFFF00] =	vst v1  }
0x3ed: {  	[tilespmem:s18+$0xFFFFFF80] =	vst v2;
	v1 =	vld [tilespmem:s20+$0x200]  }
0x3ee: {  	[tilespmem:s18+$0x0] =	vst v3;
	v2 =	vld [tilespmem:s20+$0x280]  }
0x3ef: {  	[tilespmem:s18+$0x80] =	vst v4;
	v3 =	vld [tilespmem:s20+$0x300]  }
0x3f0: {  	v4 =	vld [tilespmem:s20+$0xFFFFFC00];
	[tilespmem:s18+$0x100] =	vst v5  }
0x3f1: {  	v5 =	vld [tilespmem:s20+$0xFFFFFC90];
	[tilespmem:s18+$0x390] =	vst v0  }
0x3f2: {  	v0 =	vld [tilespmem:s20+$0x180];
	[tilespmem:s18+$0x200] =	vst v1  }
0x3f3: {  	v6 =	vld [tilespmem:s20+$0xFFFFFF90];
	[tilespmem:s18+$0x280] =	vst v2  }
0x3f4: {  	v7 =	vld [tilespmem:s20+$0x10];
	[tilespmem:s18+$0x300] =	vst v3  }
0x3f5: {  	v8 =	vld [tilespmem:s20+$0x90];
	[tilespmem:s18+$0xFFFFFC00] =	vst v4  }
0x3f6: {  	v1 =	vld [tilespmem:s20+$0xFFFFFD90];
	[tilespmem:s18+$0xFFFFFC90] =	vst v5  }
0x3f7: {  	[tilespmem:s18+$0x180] =	vst v0;
	v0 =	vld [tilespmem:s20+$0xFFFFFD10]  }
0x3f8: {  	v2 =	vld [tilespmem:s20+$0xFFFFFE10];
	[tilespmem:s18+$0xFFFFFF90] =	vst v6  }
0x3f9: {  	v3 =	vld [tilespmem:s20+$0xFFFFFE90];
	[tilespmem:s18+$0x10] =	vst v7  }
0x3fa: {  	v5 =	vld [tilespmem:s20+$0xFFFFFF10];
	[tilespmem:s18+$0x90] =	vst v8  }
0x3fb: {  	v4 =	vld [tilespmem:s20+$0xFFFFFC10];
	[tilespmem:s18+$0xFFFFFD90] =	vst v1  }
0x3fc: {  	[tilespmem:s18+$0xFFFFFD10] =	vst v0;
	v0 =	vld [tilespmem:s20+$0x110]  }
0x3fd: {  	[tilespmem:s18+$0xFFFFFE10] =	vst v2;
	v1 =	vld [tilespmem:s20+$0x190]  }
0x3fe: {  	[tilespmem:s18+$0xFFFFFE90] =	vst v3;
	v2 =	vld [tilespmem:s20+$0x210]  }
0x3ff: {  	[tilespmem:s18+$0xFFFFFF10] =	vst v5;
	v3 =	vld [tilespmem:s20+$0x290]  }
0x400: {  	s19 =	simm.s32 $0x0;
	[tilespmem:s18+$0xFFFFFC10] =	vst v4;
	v4 =	vld [tilespmem:s20+$0x310];
	s20 =	simm.s32 $0x4C00  }
.LBB2_18:
0x401: {  	v5 =	vld [tilespmem:s20+$0x380];
	s19 =	sadd.s32 $0x10, s19;
	[tilespmem:s18+$0x110] =	vst v0  }
0x402: {  	v0 =	vld [tilespmem:s20+$0xFFFFFC80];
	p0 =	slt.u32 s19, $0x70;
	[tilespmem:s18+$0x190] =	vst v1  }
0x403: {  	v1 =	vld [tilespmem:s20+$0xFFFFFD00];
	[tilespmem:s18+$0x210] =	vst v2  }
0x404: {  	v2 =	vld [tilespmem:s20+$0xFFFFFD80];
	[tilespmem:s18+$0x290] =	vst v3  }
0x405: {  	v3 =	vld [tilespmem:s20+$0xFFFFFE00];
	[tilespmem:s18+$0x310] =	vst v4;
	s18 =	sadd.s32 $0x800, s18  }
0x406: {  	v4 =	vld [tilespmem:s20+$0xFFFFFE80];
	[tilespmem:s18+$0x380] =	vst v5  }
0x407: {  	[tilespmem:s18+$0xFFFFFC80] =	vst v0;
	v0 =	vld [tilespmem:s20+$0x390]  }
0x408: {  	[tilespmem:s18+$0xFFFFFD00] =	vst v1;
	v1 =	vld [tilespmem:s20+$0xFFFFFF00]  }
0x409: {  	[tilespmem:s18+$0xFFFFFD80] =	vst v2;
	v2 =	vld [tilespmem:s20+$0xFFFFFF80]  }
0x40a: {  	[tilespmem:s18+$0xFFFFFE00] =	vst v3;
	v3 =	vld [tilespmem:s20+$0x0]  }
0x40b: {  	[tilespmem:s18+$0xFFFFFE80] =	vst v4;
	v4 =	vld [tilespmem:s20+$0x80]  }
0x40c: {  	v5 =	vld [tilespmem:s20+$0x100];
	[tilespmem:s18+$0x390] =	vst v0  }
0x40d: {  	[tilespmem:s18+$0xFFFFFF00] =	vst v1;
	v0 =	vld [tilespmem:s20+$0x180]  }
0x40e: {  	[tilespmem:s18+$0xFFFFFF80] =	vst v2;
	v1 =	vld [tilespmem:s20+$0x200]  }
0x40f: {  	[tilespmem:s18+$0x0] =	vst v3;
	v2 =	vld [tilespmem:s20+$0x280]  }
0x410: {  	[tilespmem:s18+$0x80] =	vst v4;
	v3 =	vld [tilespmem:s20+$0x300]  }
0x411: {  	v4 =	vld [tilespmem:s20+$0xFFFFFC00];
	[tilespmem:s18+$0x100] =	vst v5  }
0x412: {  	v5 =	vld [tilespmem:s20+$0xFFFFFC90];
	[tilespmem:s18+$0x180] =	vst v0  }
0x413: {  	v0 =	vld [tilespmem:s20+$0xFFFFFD10];
	[tilespmem:s18+$0x200] =	vst v1  }
0x414: {  	v1 =	vld [tilespmem:s20+$0xFFFFFD90];
	[tilespmem:s18+$0x280] =	vst v2  }
0x415: {  	v2 =	vld [tilespmem:s20+$0xFFFFFE10];
	[tilespmem:s18+$0x300] =	vst v3  }
0x416: {  	[tilespmem:s18+$0xFFFFFC00] =	vst v4;
	v3 =	vld [tilespmem:s20+$0xFFFFFE90]  }
0x417: {  	v4 =	vld [tilespmem:s20+$0xFFFFFC10];
	[tilespmem:s18+$0xFFFFFC90] =	vst v5  }
0x418: {  	[tilespmem:s18+$0xFFFFFD10] =	vst v0;
	v5 =	vld [tilespmem:s20+$0xFFFFFF10]  }
0x419: {  	[tilespmem:s18+$0xFFFFFD90] =	vst v1;
	v6 =	vld [tilespmem:s20+$0xFFFFFF90]  }
0x41a: {  	[tilespmem:s18+$0xFFFFFE10] =	vst v2;
	v7 =	vld [tilespmem:s20+$0x10]  }
0x41b: {  	[tilespmem:s18+$0xFFFFFE90] =	vst v3;
	v8 =	vld [tilespmem:s20+$0x90]  }
.Ltmp8:
0x41c: {  	[tilespmem:s18+$0xFFFFFC10] =	vst v4;
	v0 =	vld [tilespmem:s20+$0x110];
	(pc) =	sbr.rel @p0 .LBB2_18-.Ltmp8, $4  }
0x41d: {  	[tilespmem:s18+$0xFFFFFF10] =	vst v5;
	v1 =	vld [tilespmem:s20+$0x190]  }
0x41e: {  	[tilespmem:s18+$0xFFFFFF90] =	vst v6;
	v2 =	vld [tilespmem:s20+$0x210]  }
0x41f: {  	[tilespmem:s18+$0x10] =	vst v7;
	v3 =	vld [tilespmem:s20+$0x290]  }
0x420: {  	[tilespmem:s18+$0x90] =	vst v8;
	v4 =	vld [tilespmem:s20+$0x310];
	s20 =	sadd.s32 $0x800, s20  }
0x421: {  	[tilespmem:s18+$0x110] =	vst v0  }
0x422: {  	[tilespmem:s18+$0x190] =	vst v1  }
0x423: {  	[tilespmem:s18+$0x210] =	vst v2  }
0x424: {  	[tilespmem:s18+$0x290] =	vst v3  }
0x425: {  	[tilespmem:s18+$0x310] =	vst v4  }
0x426: {  	s19 =	simm.s32 $0x10200;
	s18 =	rddreg [dreg:$0x11]  }
0x427: {  	[hbm4b:s18+s6] =	stream.linear.scatter [tilespmem:s19], [sflag:$0x8], $0x4000, $0x38;
	[tilespmem:$0x18200] =	vst v63  }
0x428: {  	s15 =	sadd.s32 $0x1, s15;
	_ =	swait.ge [sflag:s13], $0x4000  }
0x429: {  	p0 =	sne.s32 s15, s24;
	[sflag:s13] =	ssyncset.done $0x0  }
.Ltmp9:
0x42a: {  	s22 =	simm.s32 $0x14200;
	[sflag:s13] =	ssyncadd.s32 $0xFFFFC000;
	(pc) =	sbr.rel @p0 .LBB2_1-.Ltmp9, $4  }
0x42b: {  	[hbm4b:s23+s6] =	stream.linear.scatter [tilespmem:s22], [sflag:$0x8], $0x4000, $0x38;
	[tilespmem:$0x18200] =	vst v63  }
0x42c: {  	_ =	swait.ge [sflag:s13], $0x4000  }
0x42d: {  	[sflag:s13] =	ssyncset.done $0x0  }
0x42e: {  	[sflag:s13] =	ssyncadd.s32 $0xFFFFC000  }
0x42f: {  	_ =	sfence.sel $0x180000  }
0x430: {  	[bflag:$0x0] =	sbarrier.arrive $0xFFFF  }
0x431: {  	_ =	strace $0x90000047  }
0x432: {  	s0 =	stileid.u32;
	[bflag:$0x2] =	sbarrier.arrive $0xFFFF  }
0x433: {  	p0 =	sne.s32 s0, $0x0;
	s0 =	rddreg [dreg:$0x7]  }
0x434: {  	s0 =	sadd.s32 @!p0 $0x100000, s0  }
0x435: {  	[sflag:s0] =	ssyncadd.tile.s32 @!p0 $0x1;
	_ =	shalt  }
.Lfunc_end2:
_tile_overlayer_lowered:
.L_overlay_start_2:
0x436: {  	(tag) =	ssettag $0x2  }
0x437: {  	s0 =	rddreg [dreg:$0x0];
	s2 =	stileid.u32  }
0x438: {  	s1 =	rddreg [dreg:$0x1];
	p0 =	sne.s32 s2, $0x0  }
0x439: {  	s3 =	rddreg [dreg:$0x2];
	[bflag:$0x3] =	sbarrier.arrive $0xFFFF;
	s2 =	simm.s32 @!p0 $0x1C08  }
0x43a: {  	[timem:s3], [sflag:s2] =	dma.local @!p0 [hbm:s0], s1  }
0x43b: {  	s0 =	simm.s32 @!p0 $0x8  }
0x43c: {  	_ =	swait.ge @!p0 [sflag:s0], s1  }
0x43d: {  	s1 =	ssub.s32 @!p0 $0x0, s1;
	[sflag:s0] =	ssyncset.done @!p0 $0x0  }
0x43e: {  	[sflag:s0] =	ssyncadd.s32 @!p0 s1  }
0x43f: {  	[bflag:$0x3] =	sbarrier.arrive $0xFFFF  }
0x440: {  	_ =	shalt  }

</sc_bundles>
